<compile_context>
chip_gen: v7x
topology: tpu7x:2x2x1
jax: 0.10.2.dev20260603
libtpu: 0.0.44.dev20260713+nightly
codegen_flags: <defaults>
</compile_context>

<pallas_src>
import functools

import jax
import jax.numpy as jnp
from jax import lax
from jax.experimental import pallas as pl
from jax.experimental.pallas import tpu as pltpu
from jax.experimental.pallas import tpu_sc as plsc

BATCH = 1024
SEQ = 200
D = 128
N = BATCH * SEQ

CHUNK = 64
SUB = 1
NBUF = 14
DEPTH = 12


@functools.lru_cache(maxsize=None)
def _build(n_rows, d):
    info = plsc.get_sparse_core_info()
    nc, ns = info.num_cores, info.num_subcores
    nw = nc * ns
    per_w = n_rows // nw
    rows_per_chunk = SUB * CHUNK
    n_chunks = per_w // rows_per_chunk
    n_steady = NBUF * (n_chunks // NBUF)
    assert DEPTH < NBUF

    mesh = plsc.VectorSubcoreMesh(core_axis_name="c", subcore_axis_name="s")

    @functools.partial(
        pl.kernel,
        mesh=mesh,
        out_type=jax.ShapeDtypeStruct((nw, n_chunks, SUB * CHUNK, d),
                                      jnp.float32),
        scratch_types=[
            pltpu.VMEM((per_w,), jnp.int32),
        ] + [pltpu.VMEM((SUB * CHUNK, d), jnp.float32)] * NBUF
          + [pltpu.SemaphoreType.DMA] * (2 * NBUF),
    )
    def gather_kernel(idx_hbm, table_hbm, out_hbm, idx_v, *bufs_and_sems):
        rows = bufs_and_sems[:NBUF]
        gsems = bufs_and_sems[NBUF:2 * NBUF]
        ssems = bufs_and_sems[2 * NBUF:]

        wid = lax.axis_index("s") * nc + lax.axis_index("c")

        rpc = SUB * CHUNK

        def gstart(g, b):
            pltpu.async_copy(
                table_hbm.at[idx_v.at[pl.ds(rpc * g, rpc)]], rows[b],
                gsems[b])

        def gwait(g, b):
            pltpu.make_async_copy(
                table_hbm.at[idx_v.at[pl.ds(rpc * g, rpc)]], rows[b],
                gsems[b]).wait()

        def sstart(g, b):
            pltpu.async_copy(rows[b], out_hbm.at[wid, g], ssems[b])

        def swait(g, b):
            pltpu.make_async_copy(
                rows[b], out_hbm.at[wid, g], ssems[b]).wait()

        pltpu.sync_copy(idx_hbm.at[wid], idx_v)

        for g in range(DEPTH):
            gstart(g, g % NBUF)

        for g in range(NBUF):
            gwait(g, g)
            sstart(g, g)
            gi = g + DEPTH
            if gi < n_chunks:
                if gi - NBUF >= 0:
                    swait(gi - NBUF, gi % NBUF)
                gstart(gi, gi % NBUF)

        def outer(k, carry):
            gg = NBUF * k
            for j in range(NBUF):
                g = gg + j
                b = j
                nb = (j + DEPTH) % NBUF
                gwait(g, b)
                sstart(g, b)
                swait(g + DEPTH - NBUF, nb)

                @pl.when(g + DEPTH < n_chunks)
                def _():
                    gstart(g + DEPTH, nb)
            return carry

        lax.fori_loop(1, n_chunks // NBUF, outer, 0)

        for g in range(n_steady, n_chunks):
            gwait(g, g % NBUF)
            sstart(g, g % NBUF)

        for g in range(n_steady + DEPTH - NBUF, n_chunks):
            swait(g, g % NBUF)

    return gather_kernel


def kernel(enc_input, table):
    nw = 32
    idx = enc_input.reshape(nw, -1).astype(jnp.int32)
    out = _build(N, D)(idx, table)
    return out.reshape(BATCH, SEQ, D)

# --- scband reference (transcript-rebuilt; emitter-appended) ---
"""Pipeline reference for scband-encoder-40106404610705 (READ-ONLY COPY).

The authoritative reference and input builder live on the scoring server;
editing this copy changes nothing except your own understanding.
"""

import jax, jax.numpy as jnp
import numpy as np

EMB_SIZE = 100000      # passed as num_embeddings in the (buggy-arg-order) nn.Embedding
SRC_VOCAB_SIZE = 128   # passed as embedding_dim
BATCH = 1024
SEQ = 200

def setup_inputs(seed: int = 0) -> dict:
    key = jax.random.key(seed)
    k_idx, k_tab = jax.random.split(key)
    enc_input = jax.random.randint(k_idx, (BATCH, SEQ), 0, EMB_SIZE, dtype=jnp.int64 if jax.config.jax_enable_x64 else jnp.int32)
    table = jax.random.normal(k_tab, (EMB_SIZE, SRC_VOCAB_SIZE), dtype=jnp.float32) * 0.02
    return {"enc_input": enc_input, "table": table}

def reference(enc_input, table):
    # Encoder.forward with n_layers=0: output = self.embedding(enc_input)
    # nn.Embedding lookup == row gather from the table
    output = jnp.take(table, enc_input, axis=0)  # [BATCH, SEQ, SRC_VOCAB_SIZE]
    return output

if __name__ == "__main__":
    import jax
    _d = setup_inputs()
    print(jax.jit(kernel)(*tuple(_d.values())))

</pallas_src>

<mosaic_0001>
#map = affine_map<(d0, d1) -> (0, 0)>
#map1 = affine_map<(d0, d1) -> (0, 0, 0, 0)>
module attributes {stable_mosaic.version = 14 : i64} {
  func.func @gather_kernel(%arg0: i32, %arg1: i32, %arg2: memref<32x6400xi32, #tpu.memory_space<hbm>>, %arg3: memref<100000x128xf32, #tpu.memory_space<hbm>>, %arg4: memref<32x100x64x128xf32, #tpu.memory_space<hbm>>, %arg5: memref<6400xi32, #tpu.memory_space<vmem>>, %arg6: memref<64x128xf32, #tpu.memory_space<vmem>>, %arg7: memref<64x128xf32, #tpu.memory_space<vmem>>, %arg8: memref<64x128xf32, #tpu.memory_space<vmem>>, %arg9: memref<64x128xf32, #tpu.memory_space<vmem>>, %arg10: memref<64x128xf32, #tpu.memory_space<vmem>>, %arg11: memref<64x128xf32, #tpu.memory_space<vmem>>, %arg12: memref<64x128xf32, #tpu.memory_space<vmem>>, %arg13: memref<64x128xf32, #tpu.memory_space<vmem>>, %arg14: memref<64x128xf32, #tpu.memory_space<vmem>>, %arg15: memref<64x128xf32, #tpu.memory_space<vmem>>, %arg16: memref<64x128xf32, #tpu.memory_space<vmem>>, %arg17: memref<64x128xf32, #tpu.memory_space<vmem>>, %arg18: memref<64x128xf32, #tpu.memory_space<vmem>>, %arg19: memref<64x128xf32, #tpu.memory_space<vmem>>, %arg20: memref<!tpu.dma_semaphore, #tpu.memory_space<semaphore_mem>>, %arg21: memref<!tpu.dma_semaphore, #tpu.memory_space<semaphore_mem>>, %arg22: memref<!tpu.dma_semaphore, #tpu.memory_space<semaphore_mem>>, %arg23: memref<!tpu.dma_semaphore, #tpu.memory_space<semaphore_mem>>, %arg24: memref<!tpu.dma_semaphore, #tpu.memory_space<semaphore_mem>>, %arg25: memref<!tpu.dma_semaphore, #tpu.memory_space<semaphore_mem>>, %arg26: memref<!tpu.dma_semaphore, #tpu.memory_space<semaphore_mem>>, %arg27: memref<!tpu.dma_semaphore, #tpu.memory_space<semaphore_mem>>, %arg28: memref<!tpu.dma_semaphore, #tpu.memory_space<semaphore_mem>>, %arg29: memref<!tpu.dma_semaphore, #tpu.memory_space<semaphore_mem>>, %arg30: memref<!tpu.dma_semaphore, #tpu.memory_space<semaphore_mem>>, %arg31: memref<!tpu.dma_semaphore, #tpu.memory_space<semaphore_mem>>, %arg32: memref<!tpu.dma_semaphore, #tpu.memory_space<semaphore_mem>>, %arg33: memref<!tpu.dma_semaphore, #tpu.memory_space<semaphore_mem>>, %arg34: memref<!tpu.dma_semaphore, #tpu.memory_space<semaphore_mem>>, %arg35: memref<!tpu.dma_semaphore, #tpu.memory_space<semaphore_mem>>, %arg36: memref<!tpu.dma_semaphore, #tpu.memory_space<semaphore_mem>>, %arg37: memref<!tpu.dma_semaphore, #tpu.memory_space<semaphore_mem>>, %arg38: memref<!tpu.dma_semaphore, #tpu.memory_space<semaphore_mem>>, %arg39: memref<!tpu.dma_semaphore, #tpu.memory_space<semaphore_mem>>, %arg40: memref<!tpu.dma_semaphore, #tpu.memory_space<semaphore_mem>>, %arg41: memref<!tpu.dma_semaphore, #tpu.memory_space<semaphore_mem>>, %arg42: memref<!tpu.dma_semaphore, #tpu.memory_space<semaphore_mem>>, %arg43: memref<!tpu.dma_semaphore, #tpu.memory_space<semaphore_mem>>, %arg44: memref<!tpu.dma_semaphore, #tpu.memory_space<semaphore_mem>>, %arg45: memref<!tpu.dma_semaphore, #tpu.memory_space<semaphore_mem>>, %arg46: memref<!tpu.dma_semaphore, #tpu.memory_space<semaphore_mem>>, %arg47: memref<!tpu.dma_semaphore, #tpu.memory_space<semaphore_mem>>) attributes {dimension_semantics = [#tpu.dimension_semantics<core_parallel>, #tpu.dimension_semantics<subcore_parallel>], iteration_bounds = array<i64: 2, 16>, scalar_prefetch = 0 : i64, scratch_operands = 43 : i64, tpu.core_type = #tpu.core_type<sc_vector_subcore>, window_params = [{transform_indices = #map}, {transform_indices = #map}, {transform_indices = #map1}]} {
    %mul3A = arith.constant 2 : i32
    %mul3A_0 = arith.muli %arg1, %mul3A : i32
    %add3A = arith.addi %mul3A_0, %arg0 : i32
    "tpu.region"() ({
      %run_scoped3A = tpu.sem_alloc : memref<!tpu.dma_semaphore, #tpu.memory_space<semaphore_mem>>
      %dma_start3A_502 = arith.constant 0 : i32
      %dma_start3A_503 = tpu.memref_slice %arg2[%add3A, %dma_start3A_502] : memref<32x6400xi32, #tpu.memory_space<hbm>> -> memref<1x6400xi32, #tpu.memory_space<hbm>>
      %dma_start3A_504 = tpu.memref_squeeze %dma_start3A_503 : memref<1x6400xi32, #tpu.memory_space<hbm>> -> memref<6400xi32, #tpu.memory_space<hbm>>
      %dma_start3A_505 = arith.constant 0 : i32
      %dma_start3A_506 = tpu.memref_slice %arg2[%add3A, %dma_start3A_505] : memref<32x6400xi32, #tpu.memory_space<hbm>> -> memref<1x6400xi32, #tpu.memory_space<hbm>>
      %dma_start3A_507 = tpu.memref_squeeze %dma_start3A_506 : memref<1x6400xi32, #tpu.memory_space<hbm>> -> memref<6400xi32, #tpu.memory_space<hbm>>
      tpu.enqueue_dma source(%dma_start3A_507 : memref<6400xi32, #tpu.memory_space<hbm>>) target(%arg5 : memref<6400xi32, #tpu.memory_space<vmem>>) target_semaphore(%run_scoped3A : memref<!tpu.dma_semaphore, #tpu.memory_space<semaphore_mem>>)
      %dma_wait3A_508 = arith.constant 0 : i32
      %dma_wait3A_509 = tpu.memref_slice %arg2[%add3A, %dma_wait3A_508] : memref<32x6400xi32, #tpu.memory_space<hbm>> -> memref<1x6400xi32, #tpu.memory_space<hbm>>
      %dma_wait3A_510 = tpu.memref_squeeze %dma_wait3A_509 : memref<1x6400xi32, #tpu.memory_space<hbm>> -> memref<6400xi32, #tpu.memory_space<hbm>>
      %dma_wait3A_511 = arith.constant 0 : i32
      %dma_wait3A_512 = tpu.memref_slice %arg2[%add3A, %dma_wait3A_511] : memref<32x6400xi32, #tpu.memory_space<hbm>> -> memref<1x6400xi32, #tpu.memory_space<hbm>>
      %dma_wait3A_513 = tpu.memref_squeeze %dma_wait3A_512 : memref<1x6400xi32, #tpu.memory_space<hbm>> -> memref<6400xi32, #tpu.memory_space<hbm>>
      tpu.wait_dma2 semaphore(%run_scoped3A : memref<!tpu.dma_semaphore, #tpu.memory_space<semaphore_mem>>) src(%dma_wait3A_513 : memref<6400xi32, #tpu.memory_space<hbm>>) dst(%arg5 : memref<6400xi32, #tpu.memory_space<vmem>>)
      tpu.yield
    }) : () -> ()
    %dma_start3A = arith.constant 0 : i32
    %dma_start3A_1 = tpu.memref_slice %arg5[%dma_start3A] : memref<6400xi32, #tpu.memory_space<vmem>> -> memref<64xi32, #tpu.memory_space<vmem>>
    %dma_start3A_2 = arith.constant 0 : i32
    %dma_start3A_3 = arith.constant 0 : i32
    %dma_start3A_4 = tpu.memref_slice %arg3[%dma_start3A_2, %dma_start3A_3] : memref<100000x128xf32, #tpu.memory_space<hbm>> -> memref<100000x128xf32, #tpu.memory_space<hbm>>
    tpu.enqueue_indirect_dma source(%dma_start3A_4 : memref<100000x128xf32, #tpu.memory_space<hbm>>) target(%arg6 : memref<64x128xf32, #tpu.memory_space<vmem>>) offsets(%dma_start3A_1 : memref<64xi32, #tpu.memory_space<vmem>>) semaphore(%arg20 : memref<!tpu.dma_semaphore, #tpu.memory_space<semaphore_mem>>)
    %dma_start3A_5 = arith.constant 64 : i32
    %dma_start3A_6 = tpu.memref_slice %arg5[%dma_start3A_5] : memref<6400xi32, #tpu.memory_space<vmem>> -> memref<64xi32, #tpu.memory_space<vmem>>
    %dma_start3A_7 = arith.constant 0 : i32
    %dma_start3A_8 = arith.constant 0 : i32
    %dma_start3A_9 = tpu.memref_slice %arg3[%dma_start3A_7, %dma_start3A_8] : memref<100000x128xf32, #tpu.memory_space<hbm>> -> memref<100000x128xf32, #tpu.memory_space<hbm>>
    tpu.enqueue_indirect_dma source(%dma_start3A_9 : memref<100000x128xf32, #tpu.memory_space<hbm>>) target(%arg7 : memref<64x128xf32, #tpu.memory_space<vmem>>) offsets(%dma_start3A_6 : memref<64xi32, #tpu.memory_space<vmem>>) semaphore(%arg21 : memref<!tpu.dma_semaphore, #tpu.memory_space<semaphore_mem>>)
    %dma_start3A_10 = arith.constant 128 : i32
    %dma_start3A_11 = tpu.memref_slice %arg5[%dma_start3A_10] : memref<6400xi32, #tpu.memory_space<vmem>> -> memref<64xi32, #tpu.memory_space<vmem>>
    %dma_start3A_12 = arith.constant 0 : i32
    %dma_start3A_13 = arith.constant 0 : i32
    %dma_start3A_14 = tpu.memref_slice %arg3[%dma_start3A_12, %dma_start3A_13] : memref<100000x128xf32, #tpu.memory_space<hbm>> -> memref<100000x128xf32, #tpu.memory_space<hbm>>
    tpu.enqueue_indirect_dma source(%dma_start3A_14 : memref<100000x128xf32, #tpu.memory_space<hbm>>) target(%arg8 : memref<64x128xf32, #tpu.memory_space<vmem>>) offsets(%dma_start3A_11 : memref<64xi32, #tpu.memory_space<vmem>>) semaphore(%arg22 : memref<!tpu.dma_semaphore, #tpu.memory_space<semaphore_mem>>)
    %dma_start3A_15 = arith.constant 192 : i32
    %dma_start3A_16 = tpu.memref_slice %arg5[%dma_start3A_15] : memref<6400xi32, #tpu.memory_space<vmem>> -> memref<64xi32, #tpu.memory_space<vmem>>
    %dma_start3A_17 = arith.constant 0 : i32
    %dma_start3A_18 = arith.constant 0 : i32
    %dma_start3A_19 = tpu.memref_slice %arg3[%dma_start3A_17, %dma_start3A_18] : memref<100000x128xf32, #tpu.memory_space<hbm>> -> memref<100000x128xf32, #tpu.memory_space<hbm>>
    tpu.enqueue_indirect_dma source(%dma_start3A_19 : memref<100000x128xf32, #tpu.memory_space<hbm>>) target(%arg9 : memref<64x128xf32, #tpu.memory_space<vmem>>) offsets(%dma_start3A_16 : memref<64xi32, #tpu.memory_space<vmem>>) semaphore(%arg23 : memref<!tpu.dma_semaphore, #tpu.memory_space<semaphore_mem>>)
    %dma_start3A_20 = arith.constant 256 : i32
    %dma_start3A_21 = tpu.memref_slice %arg5[%dma_start3A_20] : memref<6400xi32, #tpu.memory_space<vmem>> -> memref<64xi32, #tpu.memory_space<vmem>>
    %dma_start3A_22 = arith.constant 0 : i32
    %dma_start3A_23 = arith.constant 0 : i32
    %dma_start3A_24 = tpu.memref_slice %arg3[%dma_start3A_22, %dma_start3A_23] : memref<100000x128xf32, #tpu.memory_space<hbm>> -> memref<100000x128xf32, #tpu.memory_space<hbm>>
    tpu.enqueue_indirect_dma source(%dma_start3A_24 : memref<100000x128xf32, #tpu.memory_space<hbm>>) target(%arg10 : memref<64x128xf32, #tpu.memory_space<vmem>>) offsets(%dma_start3A_21 : memref<64xi32, #tpu.memory_space<vmem>>) semaphore(%arg24 : memref<!tpu.dma_semaphore, #tpu.memory_space<semaphore_mem>>)
    %dma_start3A_25 = arith.constant 320 : i32
    %dma_start3A_26 = tpu.memref_slice %arg5[%dma_start3A_25] : memref<6400xi32, #tpu.memory_space<vmem>> -> memref<64xi32, #tpu.memory_space<vmem>>
    %dma_start3A_27 = arith.constant 0 : i32
    %dma_start3A_28 = arith.constant 0 : i32
    %dma_start3A_29 = tpu.memref_slice %arg3[%dma_start3A_27, %dma_start3A_28] : memref<100000x128xf32, #tpu.memory_space<hbm>> -> memref<100000x128xf32, #tpu.memory_space<hbm>>
    tpu.enqueue_indirect_dma source(%dma_start3A_29 : memref<100000x128xf32, #tpu.memory_space<hbm>>) target(%arg11 : memref<64x128xf32, #tpu.memory_space<vmem>>) offsets(%dma_start3A_26 : memref<64xi32, #tpu.memory_space<vmem>>) semaphore(%arg25 : memref<!tpu.dma_semaphore, #tpu.memory_space<semaphore_mem>>)
    %dma_start3A_30 = arith.constant 384 : i32
    %dma_start3A_31 = tpu.memref_slice %arg5[%dma_start3A_30] : memref<6400xi32, #tpu.memory_space<vmem>> -> memref<64xi32, #tpu.memory_space<vmem>>
    %dma_start3A_32 = arith.constant 0 : i32
    %dma_start3A_33 = arith.constant 0 : i32
    %dma_start3A_34 = tpu.memref_slice %arg3[%dma_start3A_32, %dma_start3A_33] : memref<100000x128xf32, #tpu.memory_space<hbm>> -> memref<100000x128xf32, #tpu.memory_space<hbm>>
    tpu.enqueue_indirect_dma source(%dma_start3A_34 : memref<100000x128xf32, #tpu.memory_space<hbm>>) target(%arg12 : memref<64x128xf32, #tpu.memory_space<vmem>>) offsets(%dma_start3A_31 : memref<64xi32, #tpu.memory_space<vmem>>) semaphore(%arg26 : memref<!tpu.dma_semaphore, #tpu.memory_space<semaphore_mem>>)
    %dma_start3A_35 = arith.constant 448 : i32
    %dma_start3A_36 = tpu.memref_slice %arg5[%dma_start3A_35] : memref<6400xi32, #tpu.memory_space<vmem>> -> memref<64xi32, #tpu.memory_space<vmem>>
    %dma_start3A_37 = arith.constant 0 : i32
    %dma_start3A_38 = arith.constant 0 : i32
    %dma_start3A_39 = tpu.memref_slice %arg3[%dma_start3A_37, %dma_start3A_38] : memref<100000x128xf32, #tpu.memory_space<hbm>> -> memref<100000x128xf32, #tpu.memory_space<hbm>>
    tpu.enqueue_indirect_dma source(%dma_start3A_39 : memref<100000x128xf32, #tpu.memory_space<hbm>>) target(%arg13 : memref<64x128xf32, #tpu.memory_space<vmem>>) offsets(%dma_start3A_36 : memref<64xi32, #tpu.memory_space<vmem>>) semaphore(%arg27 : memref<!tpu.dma_semaphore, #tpu.memory_space<semaphore_mem>>)
    %dma_start3A_40 = arith.constant 512 : i32
    %dma_start3A_41 = tpu.memref_slice %arg5[%dma_start3A_40] : memref<6400xi32, #tpu.memory_space<vmem>> -> memref<64xi32, #tpu.memory_space<vmem>>
    %dma_start3A_42 = arith.constant 0 : i32
    %dma_start3A_43 = arith.constant 0 : i32
    %dma_start3A_44 = tpu.memref_slice %arg3[%dma_start3A_42, %dma_start3A_43] : memref<100000x128xf32, #tpu.memory_space<hbm>> -> memref<100000x128xf32, #tpu.memory_space<hbm>>
    tpu.enqueue_indirect_dma source(%dma_start3A_44 : memref<100000x128xf32, #tpu.memory_space<hbm>>) target(%arg14 : memref<64x128xf32, #tpu.memory_space<vmem>>) offsets(%dma_start3A_41 : memref<64xi32, #tpu.memory_space<vmem>>) semaphore(%arg28 : memref<!tpu.dma_semaphore, #tpu.memory_space<semaphore_mem>>)
    %dma_start3A_45 = arith.constant 576 : i32
    %dma_start3A_46 = tpu.memref_slice %arg5[%dma_start3A_45] : memref<6400xi32, #tpu.memory_space<vmem>> -> memref<64xi32, #tpu.memory_space<vmem>>
    %dma_start3A_47 = arith.constant 0 : i32
    %dma_start3A_48 = arith.constant 0 : i32
    %dma_start3A_49 = tpu.memref_slice %arg3[%dma_start3A_47, %dma_start3A_48] : memref<100000x128xf32, #tpu.memory_space<hbm>> -> memref<100000x128xf32, #tpu.memory_space<hbm>>
    tpu.enqueue_indirect_dma source(%dma_start3A_49 : memref<100000x128xf32, #tpu.memory_space<hbm>>) target(%arg15 : memref<64x128xf32, #tpu.memory_space<vmem>>) offsets(%dma_start3A_46 : memref<64xi32, #tpu.memory_space<vmem>>) semaphore(%arg29 : memref<!tpu.dma_semaphore, #tpu.memory_space<semaphore_mem>>)
    %dma_start3A_50 = arith.constant 640 : i32
    %dma_start3A_51 = tpu.memref_slice %arg5[%dma_start3A_50] : memref<6400xi32, #tpu.memory_space<vmem>> -> memref<64xi32, #tpu.memory_space<vmem>>
    %dma_start3A_52 = arith.constant 0 : i32
    %dma_start3A_53 = arith.constant 0 : i32
    %dma_start3A_54 = tpu.memref_slice %arg3[%dma_start3A_52, %dma_start3A_53] : memref<100000x128xf32, #tpu.memory_space<hbm>> -> memref<100000x128xf32, #tpu.memory_space<hbm>>
    tpu.enqueue_indirect_dma source(%dma_start3A_54 : memref<100000x128xf32, #tpu.memory_space<hbm>>) target(%arg16 : memref<64x128xf32, #tpu.memory_space<vmem>>) offsets(%dma_start3A_51 : memref<64xi32, #tpu.memory_space<vmem>>) semaphore(%arg30 : memref<!tpu.dma_semaphore, #tpu.memory_space<semaphore_mem>>)
    %dma_start3A_55 = arith.constant 704 : i32
    %dma_start3A_56 = tpu.memref_slice %arg5[%dma_start3A_55] : memref<6400xi32, #tpu.memory_space<vmem>> -> memref<64xi32, #tpu.memory_space<vmem>>
    %dma_start3A_57 = arith.constant 0 : i32
    %dma_start3A_58 = arith.constant 0 : i32
    %dma_start3A_59 = tpu.memref_slice %arg3[%dma_start3A_57, %dma_start3A_58] : memref<100000x128xf32, #tpu.memory_space<hbm>> -> memref<100000x128xf32, #tpu.memory_space<hbm>>
    tpu.enqueue_indirect_dma source(%dma_start3A_59 : memref<100000x128xf32, #tpu.memory_space<hbm>>) target(%arg17 : memref<64x128xf32, #tpu.memory_space<vmem>>) offsets(%dma_start3A_56 : memref<64xi32, #tpu.memory_space<vmem>>) semaphore(%arg31 : memref<!tpu.dma_semaphore, #tpu.memory_space<semaphore_mem>>)
    %dma_wait3A = arith.constant 0 : i32
    %dma_wait3A_60 = tpu.memref_slice %arg5[%dma_wait3A] : memref<6400xi32, #tpu.memory_space<vmem>> -> memref<64xi32, #tpu.memory_space<vmem>>
    %dma_wait3A_61 = arith.constant 0 : i32
    %dma_wait3A_62 = arith.constant 0 : i32
    %dma_wait3A_63 = tpu.memref_slice %arg3[%dma_wait3A_61, %dma_wait3A_62] : memref<100000x128xf32, #tpu.memory_space<hbm>> -> memref<100000x128xf32, #tpu.memory_space<hbm>>
    tpu.wait_indirect_dma semaphore(%arg20 : memref<!tpu.dma_semaphore, #tpu.memory_space<semaphore_mem>>) src(%dma_wait3A_63 : memref<100000x128xf32, #tpu.memory_space<hbm>>) dst(%arg6 : memref<64x128xf32, #tpu.memory_space<vmem>>)
    %dma_start3A_64 = arith.constant 0 : i32
    %dma_start3A_65 = arith.constant 0 : i32
    %dma_start3A_66 = arith.constant 0 : i32
    %dma_start3A_67 = tpu.memref_slice %arg4[%add3A, %dma_start3A_64, %dma_start3A_65, %dma_start3A_66] : memref<32x100x64x128xf32, #tpu.memory_space<hbm>> -> memref<1x1x64x128xf32, #tpu.memory_space<hbm>>
    %dma_start3A_68 = tpu.memref_squeeze %dma_start3A_67 : memref<1x1x64x128xf32, #tpu.memory_space<hbm>> -> memref<64x128xf32, #tpu.memory_space<hbm>>
    %dma_start3A_69 = arith.constant 0 : i32
    %dma_start3A_70 = arith.constant 0 : i32
    %dma_start3A_71 = tpu.memref_slice %arg4[%add3A, %dma_start3A_64, %dma_start3A_69, %dma_start3A_70] : memref<32x100x64x128xf32, #tpu.memory_space<hbm>> -> memref<1x1x64x128xf32, #tpu.memory_space<hbm>>
    %dma_start3A_72 = tpu.memref_squeeze %dma_start3A_71 : memref<1x1x64x128xf32, #tpu.memory_space<hbm>> -> memref<64x128xf32, #tpu.memory_space<hbm>>
    tpu.enqueue_dma source(%arg6 : memref<64x128xf32, #tpu.memory_space<vmem>>) target(%dma_start3A_72 : memref<64x128xf32, #tpu.memory_space<hbm>>) target_semaphore(%arg34 : memref<!tpu.dma_semaphore, #tpu.memory_space<semaphore_mem>>)
    %dma_start3A_73 = arith.constant 768 : i32
    %dma_start3A_74 = tpu.memref_slice %arg5[%dma_start3A_73] : memref<6400xi32, #tpu.memory_space<vmem>> -> memref<64xi32, #tpu.memory_space<vmem>>
    %dma_start3A_75 = arith.constant 0 : i32
    %dma_start3A_76 = arith.constant 0 : i32
    %dma_start3A_77 = tpu.memref_slice %arg3[%dma_start3A_75, %dma_start3A_76] : memref<100000x128xf32, #tpu.memory_space<hbm>> -> memref<100000x128xf32, #tpu.memory_space<hbm>>
    tpu.enqueue_indirect_dma source(%dma_start3A_77 : memref<100000x128xf32, #tpu.memory_space<hbm>>) target(%arg18 : memref<64x128xf32, #tpu.memory_space<vmem>>) offsets(%dma_start3A_74 : memref<64xi32, #tpu.memory_space<vmem>>) semaphore(%arg32 : memref<!tpu.dma_semaphore, #tpu.memory_space<semaphore_mem>>)
    %dma_wait3A_78 = arith.constant 64 : i32
    %dma_wait3A_79 = tpu.memref_slice %arg5[%dma_wait3A_78] : memref<6400xi32, #tpu.memory_space<vmem>> -> memref<64xi32, #tpu.memory_space<vmem>>
    %dma_wait3A_80 = arith.constant 0 : i32
    %dma_wait3A_81 = arith.constant 0 : i32
    %dma_wait3A_82 = tpu.memref_slice %arg3[%dma_wait3A_80, %dma_wait3A_81] : memref<100000x128xf32, #tpu.memory_space<hbm>> -> memref<100000x128xf32, #tpu.memory_space<hbm>>
    tpu.wait_indirect_dma semaphore(%arg21 : memref<!tpu.dma_semaphore, #tpu.memory_space<semaphore_mem>>) src(%dma_wait3A_82 : memref<100000x128xf32, #tpu.memory_space<hbm>>) dst(%arg7 : memref<64x128xf32, #tpu.memory_space<vmem>>)
    %dma_start3A_83 = arith.constant 1 : i32
    %dma_start3A_84 = arith.constant 0 : i32
    %dma_start3A_85 = arith.constant 0 : i32
    %dma_start3A_86 = tpu.memref_slice %arg4[%add3A, %dma_start3A_83, %dma_start3A_84, %dma_start3A_85] : memref<32x100x64x128xf32, #tpu.memory_space<hbm>> -> memref<1x1x64x128xf32, #tpu.memory_space<hbm>>
    %dma_start3A_87 = tpu.memref_squeeze %dma_start3A_86 : memref<1x1x64x128xf32, #tpu.memory_space<hbm>> -> memref<64x128xf32, #tpu.memory_space<hbm>>
    %dma_start3A_88 = arith.constant 0 : i32
    %dma_start3A_89 = arith.constant 0 : i32
    %dma_start3A_90 = tpu.memref_slice %arg4[%add3A, %dma_start3A_83, %dma_start3A_88, %dma_start3A_89] : memref<32x100x64x128xf32, #tpu.memory_space<hbm>> -> memref<1x1x64x128xf32, #tpu.memory_space<hbm>>
    %dma_start3A_91 = tpu.memref_squeeze %dma_start3A_90 : memref<1x1x64x128xf32, #tpu.memory_space<hbm>> -> memref<64x128xf32, #tpu.memory_space<hbm>>
    tpu.enqueue_dma source(%arg7 : memref<64x128xf32, #tpu.memory_space<vmem>>) target(%dma_start3A_91 : memref<64x128xf32, #tpu.memory_space<hbm>>) target_semaphore(%arg35 : memref<!tpu.dma_semaphore, #tpu.memory_space<semaphore_mem>>)
    %dma_start3A_92 = arith.constant 832 : i32
    %dma_start3A_93 = tpu.memref_slice %arg5[%dma_start3A_92] : memref<6400xi32, #tpu.memory_space<vmem>> -> memref<64xi32, #tpu.memory_space<vmem>>
    %dma_start3A_94 = arith.constant 0 : i32
    %dma_start3A_95 = arith.constant 0 : i32
    %dma_start3A_96 = tpu.memref_slice %arg3[%dma_start3A_94, %dma_start3A_95] : memref<100000x128xf32, #tpu.memory_space<hbm>> -> memref<100000x128xf32, #tpu.memory_space<hbm>>
    tpu.enqueue_indirect_dma source(%dma_start3A_96 : memref<100000x128xf32, #tpu.memory_space<hbm>>) target(%arg19 : memref<64x128xf32, #tpu.memory_space<vmem>>) offsets(%dma_start3A_93 : memref<64xi32, #tpu.memory_space<vmem>>) semaphore(%arg33 : memref<!tpu.dma_semaphore, #tpu.memory_space<semaphore_mem>>)
    %dma_wait3A_97 = arith.constant 128 : i32
    %dma_wait3A_98 = tpu.memref_slice %arg5[%dma_wait3A_97] : memref<6400xi32, #tpu.memory_space<vmem>> -> memref<64xi32, #tpu.memory_space<vmem>>
    %dma_wait3A_99 = arith.constant 0 : i32
    %dma_wait3A_100 = arith.constant 0 : i32
    %dma_wait3A_101 = tpu.memref_slice %arg3[%dma_wait3A_99, %dma_wait3A_100] : memref<100000x128xf32, #tpu.memory_space<hbm>> -> memref<100000x128xf32, #tpu.memory_space<hbm>>
    tpu.wait_indirect_dma semaphore(%arg22 : memref<!tpu.dma_semaphore, #tpu.memory_space<semaphore_mem>>) src(%dma_wait3A_101 : memref<100000x128xf32, #tpu.memory_space<hbm>>) dst(%arg8 : memref<64x128xf32, #tpu.memory_space<vmem>>)
    %dma_start3A_102 = arith.constant 2 : i32
    %dma_start3A_103 = arith.constant 0 : i32
    %dma_start3A_104 = arith.constant 0 : i32
    %dma_start3A_105 = tpu.memref_slice %arg4[%add3A, %dma_start3A_102, %dma_start3A_103, %dma_start3A_104] : memref<32x100x64x128xf32, #tpu.memory_space<hbm>> -> memref<1x1x64x128xf32, #tpu.memory_space<hbm>>
    %dma_start3A_106 = tpu.memref_squeeze %dma_start3A_105 : memref<1x1x64x128xf32, #tpu.memory_space<hbm>> -> memref<64x128xf32, #tpu.memory_space<hbm>>
    %dma_start3A_107 = arith.constant 0 : i32
    %dma_start3A_108 = arith.constant 0 : i32
    %dma_start3A_109 = tpu.memref_slice %arg4[%add3A, %dma_start3A_102, %dma_start3A_107, %dma_start3A_108] : memref<32x100x64x128xf32, #tpu.memory_space<hbm>> -> memref<1x1x64x128xf32, #tpu.memory_space<hbm>>
    %dma_start3A_110 = tpu.memref_squeeze %dma_start3A_109 : memref<1x1x64x128xf32, #tpu.memory_space<hbm>> -> memref<64x128xf32, #tpu.memory_space<hbm>>
    tpu.enqueue_dma source(%arg8 : memref<64x128xf32, #tpu.memory_space<vmem>>) target(%dma_start3A_110 : memref<64x128xf32, #tpu.memory_space<hbm>>) target_semaphore(%arg36 : memref<!tpu.dma_semaphore, #tpu.memory_space<semaphore_mem>>)
    %dma_wait3A_111 = arith.constant 0 : i32
    %dma_wait3A_112 = arith.constant 0 : i32
    %dma_wait3A_113 = arith.constant 0 : i32
    %dma_wait3A_114 = tpu.memref_slice %arg4[%add3A, %dma_wait3A_111, %dma_wait3A_112, %dma_wait3A_113] : memref<32x100x64x128xf32, #tpu.memory_space<hbm>> -> memref<1x1x64x128xf32, #tpu.memory_space<hbm>>
    %dma_wait3A_115 = tpu.memref_squeeze %dma_wait3A_114 : memref<1x1x64x128xf32, #tpu.memory_space<hbm>> -> memref<64x128xf32, #tpu.memory_space<hbm>>
    %dma_wait3A_116 = arith.constant 0 : i32
    %dma_wait3A_117 = arith.constant 0 : i32
    %dma_wait3A_118 = tpu.memref_slice %arg4[%add3A, %dma_wait3A_111, %dma_wait3A_116, %dma_wait3A_117] : memref<32x100x64x128xf32, #tpu.memory_space<hbm>> -> memref<1x1x64x128xf32, #tpu.memory_space<hbm>>
    %dma_wait3A_119 = tpu.memref_squeeze %dma_wait3A_118 : memref<1x1x64x128xf32, #tpu.memory_space<hbm>> -> memref<64x128xf32, #tpu.memory_space<hbm>>
    tpu.wait_dma2 semaphore(%arg34 : memref<!tpu.dma_semaphore, #tpu.memory_space<semaphore_mem>>) src(%arg6 : memref<64x128xf32, #tpu.memory_space<vmem>>) dst(%dma_wait3A_119 : memref<64x128xf32, #tpu.memory_space<hbm>>)
    %dma_start3A_120 = arith.constant 896 : i32
    %dma_start3A_121 = tpu.memref_slice %arg5[%dma_start3A_120] : memref<6400xi32, #tpu.memory_space<vmem>> -> memref<64xi32, #tpu.memory_space<vmem>>
    %dma_start3A_122 = arith.constant 0 : i32
    %dma_start3A_123 = arith.constant 0 : i32
    %dma_start3A_124 = tpu.memref_slice %arg3[%dma_start3A_122, %dma_start3A_123] : memref<100000x128xf32, #tpu.memory_space<hbm>> -> memref<100000x128xf32, #tpu.memory_space<hbm>>
    tpu.enqueue_indirect_dma source(%dma_start3A_124 : memref<100000x128xf32, #tpu.memory_space<hbm>>) target(%arg6 : memref<64x128xf32, #tpu.memory_space<vmem>>) offsets(%dma_start3A_121 : memref<64xi32, #tpu.memory_space<vmem>>) semaphore(%arg20 : memref<!tpu.dma_semaphore, #tpu.memory_space<semaphore_mem>>)
    %dma_wait3A_125 = arith.constant 192 : i32
    %dma_wait3A_126 = tpu.memref_slice %arg5[%dma_wait3A_125] : memref<6400xi32, #tpu.memory_space<vmem>> -> memref<64xi32, #tpu.memory_space<vmem>>
    %dma_wait3A_127 = arith.constant 0 : i32
    %dma_wait3A_128 = arith.constant 0 : i32
    %dma_wait3A_129 = tpu.memref_slice %arg3[%dma_wait3A_127, %dma_wait3A_128] : memref<100000x128xf32, #tpu.memory_space<hbm>> -> memref<100000x128xf32, #tpu.memory_space<hbm>>
    tpu.wait_indirect_dma semaphore(%arg23 : memref<!tpu.dma_semaphore, #tpu.memory_space<semaphore_mem>>) src(%dma_wait3A_129 : memref<100000x128xf32, #tpu.memory_space<hbm>>) dst(%arg9 : memref<64x128xf32, #tpu.memory_space<vmem>>)
    %dma_start3A_130 = arith.constant 3 : i32
    %dma_start3A_131 = arith.constant 0 : i32
    %dma_start3A_132 = arith.constant 0 : i32
    %dma_start3A_133 = tpu.memref_slice %arg4[%add3A, %dma_start3A_130, %dma_start3A_131, %dma_start3A_132] : memref<32x100x64x128xf32, #tpu.memory_space<hbm>> -> memref<1x1x64x128xf32, #tpu.memory_space<hbm>>
    %dma_start3A_134 = tpu.memref_squeeze %dma_start3A_133 : memref<1x1x64x128xf32, #tpu.memory_space<hbm>> -> memref<64x128xf32, #tpu.memory_space<hbm>>
    %dma_start3A_135 = arith.constant 0 : i32
    %dma_start3A_136 = arith.constant 0 : i32
    %dma_start3A_137 = tpu.memref_slice %arg4[%add3A, %dma_start3A_130, %dma_start3A_135, %dma_start3A_136] : memref<32x100x64x128xf32, #tpu.memory_space<hbm>> -> memref<1x1x64x128xf32, #tpu.memory_space<hbm>>
    %dma_start3A_138 = tpu.memref_squeeze %dma_start3A_137 : memref<1x1x64x128xf32, #tpu.memory_space<hbm>> -> memref<64x128xf32, #tpu.memory_space<hbm>>
    tpu.enqueue_dma source(%arg9 : memref<64x128xf32, #tpu.memory_space<vmem>>) target(%dma_start3A_138 : memref<64x128xf32, #tpu.memory_space<hbm>>) target_semaphore(%arg37 : memref<!tpu.dma_semaphore, #tpu.memory_space<semaphore_mem>>)
    %dma_wait3A_139 = arith.constant 1 : i32
    %dma_wait3A_140 = arith.constant 0 : i32
    %dma_wait3A_141 = arith.constant 0 : i32
    %dma_wait3A_142 = tpu.memref_slice %arg4[%add3A, %dma_wait3A_139, %dma_wait3A_140, %dma_wait3A_141] : memref<32x100x64x128xf32, #tpu.memory_space<hbm>> -> memref<1x1x64x128xf32, #tpu.memory_space<hbm>>
    %dma_wait3A_143 = tpu.memref_squeeze %dma_wait3A_142 : memref<1x1x64x128xf32, #tpu.memory_space<hbm>> -> memref<64x128xf32, #tpu.memory_space<hbm>>
    %dma_wait3A_144 = arith.constant 0 : i32
    %dma_wait3A_145 = arith.constant 0 : i32
    %dma_wait3A_146 = tpu.memref_slice %arg4[%add3A, %dma_wait3A_139, %dma_wait3A_144, %dma_wait3A_145] : memref<32x100x64x128xf32, #tpu.memory_space<hbm>> -> memref<1x1x64x128xf32, #tpu.memory_space<hbm>>
    %dma_wait3A_147 = tpu.memref_squeeze %dma_wait3A_146 : memref<1x1x64x128xf32, #tpu.memory_space<hbm>> -> memref<64x128xf32, #tpu.memory_space<hbm>>
    tpu.wait_dma2 semaphore(%arg35 : memref<!tpu.dma_semaphore, #tpu.memory_space<semaphore_mem>>) src(%arg7 : memref<64x128xf32, #tpu.memory_space<vmem>>) dst(%dma_wait3A_147 : memref<64x128xf32, #tpu.memory_space<hbm>>)
    %dma_start3A_148 = arith.constant 960 : i32
    %dma_start3A_149 = tpu.memref_slice %arg5[%dma_start3A_148] : memref<6400xi32, #tpu.memory_space<vmem>> -> memref<64xi32, #tpu.memory_space<vmem>>
    %dma_start3A_150 = arith.constant 0 : i32
    %dma_start3A_151 = arith.constant 0 : i32
    %dma_start3A_152 = tpu.memref_slice %arg3[%dma_start3A_150, %dma_start3A_151] : memref<100000x128xf32, #tpu.memory_space<hbm>> -> memref<100000x128xf32, #tpu.memory_space<hbm>>
    tpu.enqueue_indirect_dma source(%dma_start3A_152 : memref<100000x128xf32, #tpu.memory_space<hbm>>) target(%arg7 : memref<64x128xf32, #tpu.memory_space<vmem>>) offsets(%dma_start3A_149 : memref<64xi32, #tpu.memory_space<vmem>>) semaphore(%arg21 : memref<!tpu.dma_semaphore, #tpu.memory_space<semaphore_mem>>)
    %dma_wait3A_153 = arith.constant 256 : i32
    %dma_wait3A_154 = tpu.memref_slice %arg5[%dma_wait3A_153] : memref<6400xi32, #tpu.memory_space<vmem>> -> memref<64xi32, #tpu.memory_space<vmem>>
    %dma_wait3A_155 = arith.constant 0 : i32
    %dma_wait3A_156 = arith.constant 0 : i32
    %dma_wait3A_157 = tpu.memref_slice %arg3[%dma_wait3A_155, %dma_wait3A_156] : memref<100000x128xf32, #tpu.memory_space<hbm>> -> memref<100000x128xf32, #tpu.memory_space<hbm>>
    tpu.wait_indirect_dma semaphore(%arg24 : memref<!tpu.dma_semaphore, #tpu.memory_space<semaphore_mem>>) src(%dma_wait3A_157 : memref<100000x128xf32, #tpu.memory_space<hbm>>) dst(%arg10 : memref<64x128xf32, #tpu.memory_space<vmem>>)
    %dma_start3A_158 = arith.constant 4 : i32
    %dma_start3A_159 = arith.constant 0 : i32
    %dma_start3A_160 = arith.constant 0 : i32
    %dma_start3A_161 = tpu.memref_slice %arg4[%add3A, %dma_start3A_158, %dma_start3A_159, %dma_start3A_160] : memref<32x100x64x128xf32, #tpu.memory_space<hbm>> -> memref<1x1x64x128xf32, #tpu.memory_space<hbm>>
    %dma_start3A_162 = tpu.memref_squeeze %dma_start3A_161 : memref<1x1x64x128xf32, #tpu.memory_space<hbm>> -> memref<64x128xf32, #tpu.memory_space<hbm>>
    %dma_start3A_163 = arith.constant 0 : i32
    %dma_start3A_164 = arith.constant 0 : i32
    %dma_start3A_165 = tpu.memref_slice %arg4[%add3A, %dma_start3A_158, %dma_start3A_163, %dma_start3A_164] : memref<32x100x64x128xf32, #tpu.memory_space<hbm>> -> memref<1x1x64x128xf32, #tpu.memory_space<hbm>>
    %dma_start3A_166 = tpu.memref_squeeze %dma_start3A_165 : memref<1x1x64x128xf32, #tpu.memory_space<hbm>> -> memref<64x128xf32, #tpu.memory_space<hbm>>
    tpu.enqueue_dma source(%arg10 : memref<64x128xf32, #tpu.memory_space<vmem>>) target(%dma_start3A_166 : memref<64x128xf32, #tpu.memory_space<hbm>>) target_semaphore(%arg38 : memref<!tpu.dma_semaphore, #tpu.memory_space<semaphore_mem>>)
    %dma_wait3A_167 = arith.constant 2 : i32
    %dma_wait3A_168 = arith.constant 0 : i32
    %dma_wait3A_169 = arith.constant 0 : i32
    %dma_wait3A_170 = tpu.memref_slice %arg4[%add3A, %dma_wait3A_167, %dma_wait3A_168, %dma_wait3A_169] : memref<32x100x64x128xf32, #tpu.memory_space<hbm>> -> memref<1x1x64x128xf32, #tpu.memory_space<hbm>>
    %dma_wait3A_171 = tpu.memref_squeeze %dma_wait3A_170 : memref<1x1x64x128xf32, #tpu.memory_space<hbm>> -> memref<64x128xf32, #tpu.memory_space<hbm>>
    %dma_wait3A_172 = arith.constant 0 : i32
    %dma_wait3A_173 = arith.constant 0 : i32
    %dma_wait3A_174 = tpu.memref_slice %arg4[%add3A, %dma_wait3A_167, %dma_wait3A_172, %dma_wait3A_173] : memref<32x100x64x128xf32, #tpu.memory_space<hbm>> -> memref<1x1x64x128xf32, #tpu.memory_space<hbm>>
    %dma_wait3A_175 = tpu.memref_squeeze %dma_wait3A_174 : memref<1x1x64x128xf32, #tpu.memory_space<hbm>> -> memref<64x128xf32, #tpu.memory_space<hbm>>
    tpu.wait_dma2 semaphore(%arg36 : memref<!tpu.dma_semaphore, #tpu.memory_space<semaphore_mem>>) src(%arg8 : memref<64x128xf32, #tpu.memory_space<vmem>>) dst(%dma_wait3A_175 : memref<64x128xf32, #tpu.memory_space<hbm>>)
    %dma_start3A_176 = arith.constant 1024 : i32
    %dma_start3A_177 = tpu.memref_slice %arg5[%dma_start3A_176] : memref<6400xi32, #tpu.memory_space<vmem>> -> memref<64xi32, #tpu.memory_space<vmem>>
    %dma_start3A_178 = arith.constant 0 : i32
    %dma_start3A_179 = arith.constant 0 : i32
    %dma_start3A_180 = tpu.memref_slice %arg3[%dma_start3A_178, %dma_start3A_179] : memref<100000x128xf32, #tpu.memory_space<hbm>> -> memref<100000x128xf32, #tpu.memory_space<hbm>>
    tpu.enqueue_indirect_dma source(%dma_start3A_180 : memref<100000x128xf32, #tpu.memory_space<hbm>>) target(%arg8 : memref<64x128xf32, #tpu.memory_space<vmem>>) offsets(%dma_start3A_177 : memref<64xi32, #tpu.memory_space<vmem>>) semaphore(%arg22 : memref<!tpu.dma_semaphore, #tpu.memory_space<semaphore_mem>>)
    %dma_wait3A_181 = arith.constant 320 : i32
    %dma_wait3A_182 = tpu.memref_slice %arg5[%dma_wait3A_181] : memref<6400xi32, #tpu.memory_space<vmem>> -> memref<64xi32, #tpu.memory_space<vmem>>
    %dma_wait3A_183 = arith.constant 0 : i32
    %dma_wait3A_184 = arith.constant 0 : i32
    %dma_wait3A_185 = tpu.memref_slice %arg3[%dma_wait3A_183, %dma_wait3A_184] : memref<100000x128xf32, #tpu.memory_space<hbm>> -> memref<100000x128xf32, #tpu.memory_space<hbm>>
    tpu.wait_indirect_dma semaphore(%arg25 : memref<!tpu.dma_semaphore, #tpu.memory_space<semaphore_mem>>) src(%dma_wait3A_185 : memref<100000x128xf32, #tpu.memory_space<hbm>>) dst(%arg11 : memref<64x128xf32, #tpu.memory_space<vmem>>)
    %dma_start3A_186 = arith.constant 5 : i32
    %dma_start3A_187 = arith.constant 0 : i32
    %dma_start3A_188 = arith.constant 0 : i32
    %dma_start3A_189 = tpu.memref_slice %arg4[%add3A, %dma_start3A_186, %dma_start3A_187, %dma_start3A_188] : memref<32x100x64x128xf32, #tpu.memory_space<hbm>> -> memref<1x1x64x128xf32, #tpu.memory_space<hbm>>
    %dma_start3A_190 = tpu.memref_squeeze %dma_start3A_189 : memref<1x1x64x128xf32, #tpu.memory_space<hbm>> -> memref<64x128xf32, #tpu.memory_space<hbm>>
    %dma_start3A_191 = arith.constant 0 : i32
    %dma_start3A_192 = arith.constant 0 : i32
    %dma_start3A_193 = tpu.memref_slice %arg4[%add3A, %dma_start3A_186, %dma_start3A_191, %dma_start3A_192] : memref<32x100x64x128xf32, #tpu.memory_space<hbm>> -> memref<1x1x64x128xf32, #tpu.memory_space<hbm>>
    %dma_start3A_194 = tpu.memref_squeeze %dma_start3A_193 : memref<1x1x64x128xf32, #tpu.memory_space<hbm>> -> memref<64x128xf32, #tpu.memory_space<hbm>>
    tpu.enqueue_dma source(%arg11 : memref<64x128xf32, #tpu.memory_space<vmem>>) target(%dma_start3A_194 : memref<64x128xf32, #tpu.memory_space<hbm>>) target_semaphore(%arg39 : memref<!tpu.dma_semaphore, #tpu.memory_space<semaphore_mem>>)
    %dma_wait3A_195 = arith.constant 3 : i32
    %dma_wait3A_196 = arith.constant 0 : i32
    %dma_wait3A_197 = arith.constant 0 : i32
    %dma_wait3A_198 = tpu.memref_slice %arg4[%add3A, %dma_wait3A_195, %dma_wait3A_196, %dma_wait3A_197] : memref<32x100x64x128xf32, #tpu.memory_space<hbm>> -> memref<1x1x64x128xf32, #tpu.memory_space<hbm>>
    %dma_wait3A_199 = tpu.memref_squeeze %dma_wait3A_198 : memref<1x1x64x128xf32, #tpu.memory_space<hbm>> -> memref<64x128xf32, #tpu.memory_space<hbm>>
    %dma_wait3A_200 = arith.constant 0 : i32
    %dma_wait3A_201 = arith.constant 0 : i32
    %dma_wait3A_202 = tpu.memref_slice %arg4[%add3A, %dma_wait3A_195, %dma_wait3A_200, %dma_wait3A_201] : memref<32x100x64x128xf32, #tpu.memory_space<hbm>> -> memref<1x1x64x128xf32, #tpu.memory_space<hbm>>
    %dma_wait3A_203 = tpu.memref_squeeze %dma_wait3A_202 : memref<1x1x64x128xf32, #tpu.memory_space<hbm>> -> memref<64x128xf32, #tpu.memory_space<hbm>>
    tpu.wait_dma2 semaphore(%arg37 : memref<!tpu.dma_semaphore, #tpu.memory_space<semaphore_mem>>) src(%arg9 : memref<64x128xf32, #tpu.memory_space<vmem>>) dst(%dma_wait3A_203 : memref<64x128xf32, #tpu.memory_space<hbm>>)
    %dma_start3A_204 = arith.constant 1088 : i32
    %dma_start3A_205 = tpu.memref_slice %arg5[%dma_start3A_204] : memref<6400xi32, #tpu.memory_space<vmem>> -> memref<64xi32, #tpu.memory_space<vmem>>
    %dma_start3A_206 = arith.constant 0 : i32
    %dma_start3A_207 = arith.constant 0 : i32
    %dma_start3A_208 = tpu.memref_slice %arg3[%dma_start3A_206, %dma_start3A_207] : memref<100000x128xf32, #tpu.memory_space<hbm>> -> memref<100000x128xf32, #tpu.memory_space<hbm>>
    tpu.enqueue_indirect_dma source(%dma_start3A_208 : memref<100000x128xf32, #tpu.memory_space<hbm>>) target(%arg9 : memref<64x128xf32, #tpu.memory_space<vmem>>) offsets(%dma_start3A_205 : memref<64xi32, #tpu.memory_space<vmem>>) semaphore(%arg23 : memref<!tpu.dma_semaphore, #tpu.memory_space<semaphore_mem>>)
    %dma_wait3A_209 = arith.constant 384 : i32
    %dma_wait3A_210 = tpu.memref_slice %arg5[%dma_wait3A_209] : memref<6400xi32, #tpu.memory_space<vmem>> -> memref<64xi32, #tpu.memory_space<vmem>>
    %dma_wait3A_211 = arith.constant 0 : i32
    %dma_wait3A_212 = arith.constant 0 : i32
    %dma_wait3A_213 = tpu.memref_slice %arg3[%dma_wait3A_211, %dma_wait3A_212] : memref<100000x128xf32, #tpu.memory_space<hbm>> -> memref<100000x128xf32, #tpu.memory_space<hbm>>
    tpu.wait_indirect_dma semaphore(%arg26 : memref<!tpu.dma_semaphore, #tpu.memory_space<semaphore_mem>>) src(%dma_wait3A_213 : memref<100000x128xf32, #tpu.memory_space<hbm>>) dst(%arg12 : memref<64x128xf32, #tpu.memory_space<vmem>>)
    %dma_start3A_214 = arith.constant 6 : i32
    %dma_start3A_215 = arith.constant 0 : i32
    %dma_start3A_216 = arith.constant 0 : i32
    %dma_start3A_217 = tpu.memref_slice %arg4[%add3A, %dma_start3A_214, %dma_start3A_215, %dma_start3A_216] : memref<32x100x64x128xf32, #tpu.memory_space<hbm>> -> memref<1x1x64x128xf32, #tpu.memory_space<hbm>>
    %dma_start3A_218 = tpu.memref_squeeze %dma_start3A_217 : memref<1x1x64x128xf32, #tpu.memory_space<hbm>> -> memref<64x128xf32, #tpu.memory_space<hbm>>
    %dma_start3A_219 = arith.constant 0 : i32
    %dma_start3A_220 = arith.constant 0 : i32
    %dma_start3A_221 = tpu.memref_slice %arg4[%add3A, %dma_start3A_214, %dma_start3A_219, %dma_start3A_220] : memref<32x100x64x128xf32, #tpu.memory_space<hbm>> -> memref<1x1x64x128xf32, #tpu.memory_space<hbm>>
    %dma_start3A_222 = tpu.memref_squeeze %dma_start3A_221 : memref<1x1x64x128xf32, #tpu.memory_space<hbm>> -> memref<64x128xf32, #tpu.memory_space<hbm>>
    tpu.enqueue_dma source(%arg12 : memref<64x128xf32, #tpu.memory_space<vmem>>) target(%dma_start3A_222 : memref<64x128xf32, #tpu.memory_space<hbm>>) target_semaphore(%arg40 : memref<!tpu.dma_semaphore, #tpu.memory_space<semaphore_mem>>)
    %dma_wait3A_223 = arith.constant 4 : i32
    %dma_wait3A_224 = arith.constant 0 : i32
    %dma_wait3A_225 = arith.constant 0 : i32
    %dma_wait3A_226 = tpu.memref_slice %arg4[%add3A, %dma_wait3A_223, %dma_wait3A_224, %dma_wait3A_225] : memref<32x100x64x128xf32, #tpu.memory_space<hbm>> -> memref<1x1x64x128xf32, #tpu.memory_space<hbm>>
    %dma_wait3A_227 = tpu.memref_squeeze %dma_wait3A_226 : memref<1x1x64x128xf32, #tpu.memory_space<hbm>> -> memref<64x128xf32, #tpu.memory_space<hbm>>
    %dma_wait3A_228 = arith.constant 0 : i32
    %dma_wait3A_229 = arith.constant 0 : i32
    %dma_wait3A_230 = tpu.memref_slice %arg4[%add3A, %dma_wait3A_223, %dma_wait3A_228, %dma_wait3A_229] : memref<32x100x64x128xf32, #tpu.memory_space<hbm>> -> memref<1x1x64x128xf32, #tpu.memory_space<hbm>>
    %dma_wait3A_231 = tpu.memref_squeeze %dma_wait3A_230 : memref<1x1x64x128xf32, #tpu.memory_space<hbm>> -> memref<64x128xf32, #tpu.memory_space<hbm>>
    tpu.wait_dma2 semaphore(%arg38 : memref<!tpu.dma_semaphore, #tpu.memory_space<semaphore_mem>>) src(%arg10 : memref<64x128xf32, #tpu.memory_space<vmem>>) dst(%dma_wait3A_231 : memref<64x128xf32, #tpu.memory_space<hbm>>)
    %dma_start3A_232 = arith.constant 1152 : i32
    %dma_start3A_233 = tpu.memref_slice %arg5[%dma_start3A_232] : memref<6400xi32, #tpu.memory_space<vmem>> -> memref<64xi32, #tpu.memory_space<vmem>>
    %dma_start3A_234 = arith.constant 0 : i32
    %dma_start3A_235 = arith.constant 0 : i32
    %dma_start3A_236 = tpu.memref_slice %arg3[%dma_start3A_234, %dma_start3A_235] : memref<100000x128xf32, #tpu.memory_space<hbm>> -> memref<100000x128xf32, #tpu.memory_space<hbm>>
    tpu.enqueue_indirect_dma source(%dma_start3A_236 : memref<100000x128xf32, #tpu.memory_space<hbm>>) target(%arg10 : memref<64x128xf32, #tpu.memory_space<vmem>>) offsets(%dma_start3A_233 : memref<64xi32, #tpu.memory_space<vmem>>) semaphore(%arg24 : memref<!tpu.dma_semaphore, #tpu.memory_space<semaphore_mem>>)
    %dma_wait3A_237 = arith.constant 448 : i32
    %dma_wait3A_238 = tpu.memref_slice %arg5[%dma_wait3A_237] : memref<6400xi32, #tpu.memory_space<vmem>> -> memref<64xi32, #tpu.memory_space<vmem>>
    %dma_wait3A_239 = arith.constant 0 : i32
    %dma_wait3A_240 = arith.constant 0 : i32
    %dma_wait3A_241 = tpu.memref_slice %arg3[%dma_wait3A_239, %dma_wait3A_240] : memref<100000x128xf32, #tpu.memory_space<hbm>> -> memref<100000x128xf32, #tpu.memory_space<hbm>>
    tpu.wait_indirect_dma semaphore(%arg27 : memref<!tpu.dma_semaphore, #tpu.memory_space<semaphore_mem>>) src(%dma_wait3A_241 : memref<100000x128xf32, #tpu.memory_space<hbm>>) dst(%arg13 : memref<64x128xf32, #tpu.memory_space<vmem>>)
    %dma_start3A_242 = arith.constant 7 : i32
    %dma_start3A_243 = arith.constant 0 : i32
    %dma_start3A_244 = arith.constant 0 : i32
    %dma_start3A_245 = tpu.memref_slice %arg4[%add3A, %dma_start3A_242, %dma_start3A_243, %dma_start3A_244] : memref<32x100x64x128xf32, #tpu.memory_space<hbm>> -> memref<1x1x64x128xf32, #tpu.memory_space<hbm>>
    %dma_start3A_246 = tpu.memref_squeeze %dma_start3A_245 : memref<1x1x64x128xf32, #tpu.memory_space<hbm>> -> memref<64x128xf32, #tpu.memory_space<hbm>>
    %dma_start3A_247 = arith.constant 0 : i32
    %dma_start3A_248 = arith.constant 0 : i32
    %dma_start3A_249 = tpu.memref_slice %arg4[%add3A, %dma_start3A_242, %dma_start3A_247, %dma_start3A_248] : memref<32x100x64x128xf32, #tpu.memory_space<hbm>> -> memref<1x1x64x128xf32, #tpu.memory_space<hbm>>
    %dma_start3A_250 = tpu.memref_squeeze %dma_start3A_249 : memref<1x1x64x128xf32, #tpu.memory_space<hbm>> -> memref<64x128xf32, #tpu.memory_space<hbm>>
    tpu.enqueue_dma source(%arg13 : memref<64x128xf32, #tpu.memory_space<vmem>>) target(%dma_start3A_250 : memref<64x128xf32, #tpu.memory_space<hbm>>) target_semaphore(%arg41 : memref<!tpu.dma_semaphore, #tpu.memory_space<semaphore_mem>>)
    %dma_wait3A_251 = arith.constant 5 : i32
    %dma_wait3A_252 = arith.constant 0 : i32
    %dma_wait3A_253 = arith.constant 0 : i32
    %dma_wait3A_254 = tpu.memref_slice %arg4[%add3A, %dma_wait3A_251, %dma_wait3A_252, %dma_wait3A_253] : memref<32x100x64x128xf32, #tpu.memory_space<hbm>> -> memref<1x1x64x128xf32, #tpu.memory_space<hbm>>
    %dma_wait3A_255 = tpu.memref_squeeze %dma_wait3A_254 : memref<1x1x64x128xf32, #tpu.memory_space<hbm>> -> memref<64x128xf32, #tpu.memory_space<hbm>>
    %dma_wait3A_256 = arith.constant 0 : i32
    %dma_wait3A_257 = arith.constant 0 : i32
    %dma_wait3A_258 = tpu.memref_slice %arg4[%add3A, %dma_wait3A_251, %dma_wait3A_256, %dma_wait3A_257] : memref<32x100x64x128xf32, #tpu.memory_space<hbm>> -> memref<1x1x64x128xf32, #tpu.memory_space<hbm>>
    %dma_wait3A_259 = tpu.memref_squeeze %dma_wait3A_258 : memref<1x1x64x128xf32, #tpu.memory_space<hbm>> -> memref<64x128xf32, #tpu.memory_space<hbm>>
    tpu.wait_dma2 semaphore(%arg39 : memref<!tpu.dma_semaphore, #tpu.memory_space<semaphore_mem>>) src(%arg11 : memref<64x128xf32, #tpu.memory_space<vmem>>) dst(%dma_wait3A_259 : memref<64x128xf32, #tpu.memory_space<hbm>>)
    %dma_start3A_260 = arith.constant 1216 : i32
    %dma_start3A_261 = tpu.memref_slice %arg5[%dma_start3A_260] : memref<6400xi32, #tpu.memory_space<vmem>> -> memref<64xi32, #tpu.memory_space<vmem>>
    %dma_start3A_262 = arith.constant 0 : i32
    %dma_start3A_263 = arith.constant 0 : i32
    %dma_start3A_264 = tpu.memref_slice %arg3[%dma_start3A_262, %dma_start3A_263] : memref<100000x128xf32, #tpu.memory_space<hbm>> -> memref<100000x128xf32, #tpu.memory_space<hbm>>
    tpu.enqueue_indirect_dma source(%dma_start3A_264 : memref<100000x128xf32, #tpu.memory_space<hbm>>) target(%arg11 : memref<64x128xf32, #tpu.memory_space<vmem>>) offsets(%dma_start3A_261 : memref<64xi32, #tpu.memory_space<vmem>>) semaphore(%arg25 : memref<!tpu.dma_semaphore, #tpu.memory_space<semaphore_mem>>)
    %dma_wait3A_265 = arith.constant 512 : i32
    %dma_wait3A_266 = tpu.memref_slice %arg5[%dma_wait3A_265] : memref<6400xi32, #tpu.memory_space<vmem>> -> memref<64xi32, #tpu.memory_space<vmem>>
    %dma_wait3A_267 = arith.constant 0 : i32
    %dma_wait3A_268 = arith.constant 0 : i32
    %dma_wait3A_269 = tpu.memref_slice %arg3[%dma_wait3A_267, %dma_wait3A_268] : memref<100000x128xf32, #tpu.memory_space<hbm>> -> memref<100000x128xf32, #tpu.memory_space<hbm>>
    tpu.wait_indirect_dma semaphore(%arg28 : memref<!tpu.dma_semaphore, #tpu.memory_space<semaphore_mem>>) src(%dma_wait3A_269 : memref<100000x128xf32, #tpu.memory_space<hbm>>) dst(%arg14 : memref<64x128xf32, #tpu.memory_space<vmem>>)
    %dma_start3A_270 = arith.constant 8 : i32
    %dma_start3A_271 = arith.constant 0 : i32
    %dma_start3A_272 = arith.constant 0 : i32
    %dma_start3A_273 = tpu.memref_slice %arg4[%add3A, %dma_start3A_270, %dma_start3A_271, %dma_start3A_272] : memref<32x100x64x128xf32, #tpu.memory_space<hbm>> -> memref<1x1x64x128xf32, #tpu.memory_space<hbm>>
    %dma_start3A_274 = tpu.memref_squeeze %dma_start3A_273 : memref<1x1x64x128xf32, #tpu.memory_space<hbm>> -> memref<64x128xf32, #tpu.memory_space<hbm>>
    %dma_start3A_275 = arith.constant 0 : i32
    %dma_start3A_276 = arith.constant 0 : i32
    %dma_start3A_277 = tpu.memref_slice %arg4[%add3A, %dma_start3A_270, %dma_start3A_275, %dma_start3A_276] : memref<32x100x64x128xf32, #tpu.memory_space<hbm>> -> memref<1x1x64x128xf32, #tpu.memory_space<hbm>>
    %dma_start3A_278 = tpu.memref_squeeze %dma_start3A_277 : memref<1x1x64x128xf32, #tpu.memory_space<hbm>> -> memref<64x128xf32, #tpu.memory_space<hbm>>
    tpu.enqueue_dma source(%arg14 : memref<64x128xf32, #tpu.memory_space<vmem>>) target(%dma_start3A_278 : memref<64x128xf32, #tpu.memory_space<hbm>>) target_semaphore(%arg42 : memref<!tpu.dma_semaphore, #tpu.memory_space<semaphore_mem>>)
    %dma_wait3A_279 = arith.constant 6 : i32
    %dma_wait3A_280 = arith.constant 0 : i32
    %dma_wait3A_281 = arith.constant 0 : i32
    %dma_wait3A_282 = tpu.memref_slice %arg4[%add3A, %dma_wait3A_279, %dma_wait3A_280, %dma_wait3A_281] : memref<32x100x64x128xf32, #tpu.memory_space<hbm>> -> memref<1x1x64x128xf32, #tpu.memory_space<hbm>>
    %dma_wait3A_283 = tpu.memref_squeeze %dma_wait3A_282 : memref<1x1x64x128xf32, #tpu.memory_space<hbm>> -> memref<64x128xf32, #tpu.memory_space<hbm>>
    %dma_wait3A_284 = arith.constant 0 : i32
    %dma_wait3A_285 = arith.constant 0 : i32
    %dma_wait3A_286 = tpu.memref_slice %arg4[%add3A, %dma_wait3A_279, %dma_wait3A_284, %dma_wait3A_285] : memref<32x100x64x128xf32, #tpu.memory_space<hbm>> -> memref<1x1x64x128xf32, #tpu.memory_space<hbm>>
    %dma_wait3A_287 = tpu.memref_squeeze %dma_wait3A_286 : memref<1x1x64x128xf32, #tpu.memory_space<hbm>> -> memref<64x128xf32, #tpu.memory_space<hbm>>
    tpu.wait_dma2 semaphore(%arg40 : memref<!tpu.dma_semaphore, #tpu.memory_space<semaphore_mem>>) src(%arg12 : memref<64x128xf32, #tpu.memory_space<vmem>>) dst(%dma_wait3A_287 : memref<64x128xf32, #tpu.memory_space<hbm>>)
    %dma_start3A_288 = arith.constant 1280 : i32
    %dma_start3A_289 = tpu.memref_slice %arg5[%dma_start3A_288] : memref<6400xi32, #tpu.memory_space<vmem>> -> memref<64xi32, #tpu.memory_space<vmem>>
    %dma_start3A_290 = arith.constant 0 : i32
    %dma_start3A_291 = arith.constant 0 : i32
    %dma_start3A_292 = tpu.memref_slice %arg3[%dma_start3A_290, %dma_start3A_291] : memref<100000x128xf32, #tpu.memory_space<hbm>> -> memref<100000x128xf32, #tpu.memory_space<hbm>>
    tpu.enqueue_indirect_dma source(%dma_start3A_292 : memref<100000x128xf32, #tpu.memory_space<hbm>>) target(%arg12 : memref<64x128xf32, #tpu.memory_space<vmem>>) offsets(%dma_start3A_289 : memref<64xi32, #tpu.memory_space<vmem>>) semaphore(%arg26 : memref<!tpu.dma_semaphore, #tpu.memory_space<semaphore_mem>>)
    %dma_wait3A_293 = arith.constant 576 : i32
    %dma_wait3A_294 = tpu.memref_slice %arg5[%dma_wait3A_293] : memref<6400xi32, #tpu.memory_space<vmem>> -> memref<64xi32, #tpu.memory_space<vmem>>
    %dma_wait3A_295 = arith.constant 0 : i32
    %dma_wait3A_296 = arith.constant 0 : i32
    %dma_wait3A_297 = tpu.memref_slice %arg3[%dma_wait3A_295, %dma_wait3A_296] : memref<100000x128xf32, #tpu.memory_space<hbm>> -> memref<100000x128xf32, #tpu.memory_space<hbm>>
    tpu.wait_indirect_dma semaphore(%arg29 : memref<!tpu.dma_semaphore, #tpu.memory_space<semaphore_mem>>) src(%dma_wait3A_297 : memref<100000x128xf32, #tpu.memory_space<hbm>>) dst(%arg15 : memref<64x128xf32, #tpu.memory_space<vmem>>)
    %dma_start3A_298 = arith.constant 9 : i32
    %dma_start3A_299 = arith.constant 0 : i32
    %dma_start3A_300 = arith.constant 0 : i32
    %dma_start3A_301 = tpu.memref_slice %arg4[%add3A, %dma_start3A_298, %dma_start3A_299, %dma_start3A_300] : memref<32x100x64x128xf32, #tpu.memory_space<hbm>> -> memref<1x1x64x128xf32, #tpu.memory_space<hbm>>
    %dma_start3A_302 = tpu.memref_squeeze %dma_start3A_301 : memref<1x1x64x128xf32, #tpu.memory_space<hbm>> -> memref<64x128xf32, #tpu.memory_space<hbm>>
    %dma_start3A_303 = arith.constant 0 : i32
    %dma_start3A_304 = arith.constant 0 : i32
    %dma_start3A_305 = tpu.memref_slice %arg4[%add3A, %dma_start3A_298, %dma_start3A_303, %dma_start3A_304] : memref<32x100x64x128xf32, #tpu.memory_space<hbm>> -> memref<1x1x64x128xf32, #tpu.memory_space<hbm>>
    %dma_start3A_306 = tpu.memref_squeeze %dma_start3A_305 : memref<1x1x64x128xf32, #tpu.memory_space<hbm>> -> memref<64x128xf32, #tpu.memory_space<hbm>>
    tpu.enqueue_dma source(%arg15 : memref<64x128xf32, #tpu.memory_space<vmem>>) target(%dma_start3A_306 : memref<64x128xf32, #tpu.memory_space<hbm>>) target_semaphore(%arg43 : memref<!tpu.dma_semaphore, #tpu.memory_space<semaphore_mem>>)
    %dma_wait3A_307 = arith.constant 7 : i32
    %dma_wait3A_308 = arith.constant 0 : i32
    %dma_wait3A_309 = arith.constant 0 : i32
    %dma_wait3A_310 = tpu.memref_slice %arg4[%add3A, %dma_wait3A_307, %dma_wait3A_308, %dma_wait3A_309] : memref<32x100x64x128xf32, #tpu.memory_space<hbm>> -> memref<1x1x64x128xf32, #tpu.memory_space<hbm>>
    %dma_wait3A_311 = tpu.memref_squeeze %dma_wait3A_310 : memref<1x1x64x128xf32, #tpu.memory_space<hbm>> -> memref<64x128xf32, #tpu.memory_space<hbm>>
    %dma_wait3A_312 = arith.constant 0 : i32
    %dma_wait3A_313 = arith.constant 0 : i32
    %dma_wait3A_314 = tpu.memref_slice %arg4[%add3A, %dma_wait3A_307, %dma_wait3A_312, %dma_wait3A_313] : memref<32x100x64x128xf32, #tpu.memory_space<hbm>> -> memref<1x1x64x128xf32, #tpu.memory_space<hbm>>
    %dma_wait3A_315 = tpu.memref_squeeze %dma_wait3A_314 : memref<1x1x64x128xf32, #tpu.memory_space<hbm>> -> memref<64x128xf32, #tpu.memory_space<hbm>>
    tpu.wait_dma2 semaphore(%arg41 : memref<!tpu.dma_semaphore, #tpu.memory_space<semaphore_mem>>) src(%arg13 : memref<64x128xf32, #tpu.memory_space<vmem>>) dst(%dma_wait3A_315 : memref<64x128xf32, #tpu.memory_space<hbm>>)
    %dma_start3A_316 = arith.constant 1344 : i32
    %dma_start3A_317 = tpu.memref_slice %arg5[%dma_start3A_316] : memref<6400xi32, #tpu.memory_space<vmem>> -> memref<64xi32, #tpu.memory_space<vmem>>
    %dma_start3A_318 = arith.constant 0 : i32
    %dma_start3A_319 = arith.constant 0 : i32
    %dma_start3A_320 = tpu.memref_slice %arg3[%dma_start3A_318, %dma_start3A_319] : memref<100000x128xf32, #tpu.memory_space<hbm>> -> memref<100000x128xf32, #tpu.memory_space<hbm>>
    tpu.enqueue_indirect_dma source(%dma_start3A_320 : memref<100000x128xf32, #tpu.memory_space<hbm>>) target(%arg13 : memref<64x128xf32, #tpu.memory_space<vmem>>) offsets(%dma_start3A_317 : memref<64xi32, #tpu.memory_space<vmem>>) semaphore(%arg27 : memref<!tpu.dma_semaphore, #tpu.memory_space<semaphore_mem>>)
    %dma_wait3A_321 = arith.constant 640 : i32
    %dma_wait3A_322 = tpu.memref_slice %arg5[%dma_wait3A_321] : memref<6400xi32, #tpu.memory_space<vmem>> -> memref<64xi32, #tpu.memory_space<vmem>>
    %dma_wait3A_323 = arith.constant 0 : i32
    %dma_wait3A_324 = arith.constant 0 : i32
    %dma_wait3A_325 = tpu.memref_slice %arg3[%dma_wait3A_323, %dma_wait3A_324] : memref<100000x128xf32, #tpu.memory_space<hbm>> -> memref<100000x128xf32, #tpu.memory_space<hbm>>
    tpu.wait_indirect_dma semaphore(%arg30 : memref<!tpu.dma_semaphore, #tpu.memory_space<semaphore_mem>>) src(%dma_wait3A_325 : memref<100000x128xf32, #tpu.memory_space<hbm>>) dst(%arg16 : memref<64x128xf32, #tpu.memory_space<vmem>>)
    %dma_start3A_326 = arith.constant 10 : i32
    %dma_start3A_327 = arith.constant 0 : i32
    %dma_start3A_328 = arith.constant 0 : i32
    %dma_start3A_329 = tpu.memref_slice %arg4[%add3A, %dma_start3A_326, %dma_start3A_327, %dma_start3A_328] : memref<32x100x64x128xf32, #tpu.memory_space<hbm>> -> memref<1x1x64x128xf32, #tpu.memory_space<hbm>>
    %dma_start3A_330 = tpu.memref_squeeze %dma_start3A_329 : memref<1x1x64x128xf32, #tpu.memory_space<hbm>> -> memref<64x128xf32, #tpu.memory_space<hbm>>
    %dma_start3A_331 = arith.constant 0 : i32
    %dma_start3A_332 = arith.constant 0 : i32
    %dma_start3A_333 = tpu.memref_slice %arg4[%add3A, %dma_start3A_326, %dma_start3A_331, %dma_start3A_332] : memref<32x100x64x128xf32, #tpu.memory_space<hbm>> -> memref<1x1x64x128xf32, #tpu.memory_space<hbm>>
    %dma_start3A_334 = tpu.memref_squeeze %dma_start3A_333 : memref<1x1x64x128xf32, #tpu.memory_space<hbm>> -> memref<64x128xf32, #tpu.memory_space<hbm>>
    tpu.enqueue_dma source(%arg16 : memref<64x128xf32, #tpu.memory_space<vmem>>) target(%dma_start3A_334 : memref<64x128xf32, #tpu.memory_space<hbm>>) target_semaphore(%arg44 : memref<!tpu.dma_semaphore, #tpu.memory_space<semaphore_mem>>)
    %dma_wait3A_335 = arith.constant 8 : i32
    %dma_wait3A_336 = arith.constant 0 : i32
    %dma_wait3A_337 = arith.constant 0 : i32
    %dma_wait3A_338 = tpu.memref_slice %arg4[%add3A, %dma_wait3A_335, %dma_wait3A_336, %dma_wait3A_337] : memref<32x100x64x128xf32, #tpu.memory_space<hbm>> -> memref<1x1x64x128xf32, #tpu.memory_space<hbm>>
    %dma_wait3A_339 = tpu.memref_squeeze %dma_wait3A_338 : memref<1x1x64x128xf32, #tpu.memory_space<hbm>> -> memref<64x128xf32, #tpu.memory_space<hbm>>
    %dma_wait3A_340 = arith.constant 0 : i32
    %dma_wait3A_341 = arith.constant 0 : i32
    %dma_wait3A_342 = tpu.memref_slice %arg4[%add3A, %dma_wait3A_335, %dma_wait3A_340, %dma_wait3A_341] : memref<32x100x64x128xf32, #tpu.memory_space<hbm>> -> memref<1x1x64x128xf32, #tpu.memory_space<hbm>>
    %dma_wait3A_343 = tpu.memref_squeeze %dma_wait3A_342 : memref<1x1x64x128xf32, #tpu.memory_space<hbm>> -> memref<64x128xf32, #tpu.memory_space<hbm>>
    tpu.wait_dma2 semaphore(%arg42 : memref<!tpu.dma_semaphore, #tpu.memory_space<semaphore_mem>>) src(%arg14 : memref<64x128xf32, #tpu.memory_space<vmem>>) dst(%dma_wait3A_343 : memref<64x128xf32, #tpu.memory_space<hbm>>)
    %dma_start3A_344 = arith.constant 1408 : i32
    %dma_start3A_345 = tpu.memref_slice %arg5[%dma_start3A_344] : memref<6400xi32, #tpu.memory_space<vmem>> -> memref<64xi32, #tpu.memory_space<vmem>>
    %dma_start3A_346 = arith.constant 0 : i32
    %dma_start3A_347 = arith.constant 0 : i32
    %dma_start3A_348 = tpu.memref_slice %arg3[%dma_start3A_346, %dma_start3A_347] : memref<100000x128xf32, #tpu.memory_space<hbm>> -> memref<100000x128xf32, #tpu.memory_space<hbm>>
    tpu.enqueue_indirect_dma source(%dma_start3A_348 : memref<100000x128xf32, #tpu.memory_space<hbm>>) target(%arg14 : memref<64x128xf32, #tpu.memory_space<vmem>>) offsets(%dma_start3A_345 : memref<64xi32, #tpu.memory_space<vmem>>) semaphore(%arg28 : memref<!tpu.dma_semaphore, #tpu.memory_space<semaphore_mem>>)
    %dma_wait3A_349 = arith.constant 704 : i32
    %dma_wait3A_350 = tpu.memref_slice %arg5[%dma_wait3A_349] : memref<6400xi32, #tpu.memory_space<vmem>> -> memref<64xi32, #tpu.memory_space<vmem>>
    %dma_wait3A_351 = arith.constant 0 : i32
    %dma_wait3A_352 = arith.constant 0 : i32
    %dma_wait3A_353 = tpu.memref_slice %arg3[%dma_wait3A_351, %dma_wait3A_352] : memref<100000x128xf32, #tpu.memory_space<hbm>> -> memref<100000x128xf32, #tpu.memory_space<hbm>>
    tpu.wait_indirect_dma semaphore(%arg31 : memref<!tpu.dma_semaphore, #tpu.memory_space<semaphore_mem>>) src(%dma_wait3A_353 : memref<100000x128xf32, #tpu.memory_space<hbm>>) dst(%arg17 : memref<64x128xf32, #tpu.memory_space<vmem>>)
    %dma_start3A_354 = arith.constant 11 : i32
    %dma_start3A_355 = arith.constant 0 : i32
    %dma_start3A_356 = arith.constant 0 : i32
    %dma_start3A_357 = tpu.memref_slice %arg4[%add3A, %dma_start3A_354, %dma_start3A_355, %dma_start3A_356] : memref<32x100x64x128xf32, #tpu.memory_space<hbm>> -> memref<1x1x64x128xf32, #tpu.memory_space<hbm>>
    %dma_start3A_358 = tpu.memref_squeeze %dma_start3A_357 : memref<1x1x64x128xf32, #tpu.memory_space<hbm>> -> memref<64x128xf32, #tpu.memory_space<hbm>>
    %dma_start3A_359 = arith.constant 0 : i32
    %dma_start3A_360 = arith.constant 0 : i32
    %dma_start3A_361 = tpu.memref_slice %arg4[%add3A, %dma_start3A_354, %dma_start3A_359, %dma_start3A_360] : memref<32x100x64x128xf32, #tpu.memory_space<hbm>> -> memref<1x1x64x128xf32, #tpu.memory_space<hbm>>
    %dma_start3A_362 = tpu.memref_squeeze %dma_start3A_361 : memref<1x1x64x128xf32, #tpu.memory_space<hbm>> -> memref<64x128xf32, #tpu.memory_space<hbm>>
    tpu.enqueue_dma source(%arg17 : memref<64x128xf32, #tpu.memory_space<vmem>>) target(%dma_start3A_362 : memref<64x128xf32, #tpu.memory_space<hbm>>) target_semaphore(%arg45 : memref<!tpu.dma_semaphore, #tpu.memory_space<semaphore_mem>>)
    %dma_wait3A_363 = arith.constant 9 : i32
    %dma_wait3A_364 = arith.constant 0 : i32
    %dma_wait3A_365 = arith.constant 0 : i32
    %dma_wait3A_366 = tpu.memref_slice %arg4[%add3A, %dma_wait3A_363, %dma_wait3A_364, %dma_wait3A_365] : memref<32x100x64x128xf32, #tpu.memory_space<hbm>> -> memref<1x1x64x128xf32, #tpu.memory_space<hbm>>
    %dma_wait3A_367 = tpu.memref_squeeze %dma_wait3A_366 : memref<1x1x64x128xf32, #tpu.memory_space<hbm>> -> memref<64x128xf32, #tpu.memory_space<hbm>>
    %dma_wait3A_368 = arith.constant 0 : i32
    %dma_wait3A_369 = arith.constant 0 : i32
    %dma_wait3A_370 = tpu.memref_slice %arg4[%add3A, %dma_wait3A_363, %dma_wait3A_368, %dma_wait3A_369] : memref<32x100x64x128xf32, #tpu.memory_space<hbm>> -> memref<1x1x64x128xf32, #tpu.memory_space<hbm>>
    %dma_wait3A_371 = tpu.memref_squeeze %dma_wait3A_370 : memref<1x1x64x128xf32, #tpu.memory_space<hbm>> -> memref<64x128xf32, #tpu.memory_space<hbm>>
    tpu.wait_dma2 semaphore(%arg43 : memref<!tpu.dma_semaphore, #tpu.memory_space<semaphore_mem>>) src(%arg15 : memref<64x128xf32, #tpu.memory_space<vmem>>) dst(%dma_wait3A_371 : memref<64x128xf32, #tpu.memory_space<hbm>>)
    %dma_start3A_372 = arith.constant 1472 : i32
    %dma_start3A_373 = tpu.memref_slice %arg5[%dma_start3A_372] : memref<6400xi32, #tpu.memory_space<vmem>> -> memref<64xi32, #tpu.memory_space<vmem>>
    %dma_start3A_374 = arith.constant 0 : i32
    %dma_start3A_375 = arith.constant 0 : i32
    %dma_start3A_376 = tpu.memref_slice %arg3[%dma_start3A_374, %dma_start3A_375] : memref<100000x128xf32, #tpu.memory_space<hbm>> -> memref<100000x128xf32, #tpu.memory_space<hbm>>
    tpu.enqueue_indirect_dma source(%dma_start3A_376 : memref<100000x128xf32, #tpu.memory_space<hbm>>) target(%arg15 : memref<64x128xf32, #tpu.memory_space<vmem>>) offsets(%dma_start3A_373 : memref<64xi32, #tpu.memory_space<vmem>>) semaphore(%arg29 : memref<!tpu.dma_semaphore, #tpu.memory_space<semaphore_mem>>)
    %dma_wait3A_377 = arith.constant 768 : i32
    %dma_wait3A_378 = tpu.memref_slice %arg5[%dma_wait3A_377] : memref<6400xi32, #tpu.memory_space<vmem>> -> memref<64xi32, #tpu.memory_space<vmem>>
    %dma_wait3A_379 = arith.constant 0 : i32
    %dma_wait3A_380 = arith.constant 0 : i32
    %dma_wait3A_381 = tpu.memref_slice %arg3[%dma_wait3A_379, %dma_wait3A_380] : memref<100000x128xf32, #tpu.memory_space<hbm>> -> memref<100000x128xf32, #tpu.memory_space<hbm>>
    tpu.wait_indirect_dma semaphore(%arg32 : memref<!tpu.dma_semaphore, #tpu.memory_space<semaphore_mem>>) src(%dma_wait3A_381 : memref<100000x128xf32, #tpu.memory_space<hbm>>) dst(%arg18 : memref<64x128xf32, #tpu.memory_space<vmem>>)
    %dma_start3A_382 = arith.constant 12 : i32
    %dma_start3A_383 = arith.constant 0 : i32
    %dma_start3A_384 = arith.constant 0 : i32
    %dma_start3A_385 = tpu.memref_slice %arg4[%add3A, %dma_start3A_382, %dma_start3A_383, %dma_start3A_384] : memref<32x100x64x128xf32, #tpu.memory_space<hbm>> -> memref<1x1x64x128xf32, #tpu.memory_space<hbm>>
    %dma_start3A_386 = tpu.memref_squeeze %dma_start3A_385 : memref<1x1x64x128xf32, #tpu.memory_space<hbm>> -> memref<64x128xf32, #tpu.memory_space<hbm>>
    %dma_start3A_387 = arith.constant 0 : i32
    %dma_start3A_388 = arith.constant 0 : i32
    %dma_start3A_389 = tpu.memref_slice %arg4[%add3A, %dma_start3A_382, %dma_start3A_387, %dma_start3A_388] : memref<32x100x64x128xf32, #tpu.memory_space<hbm>> -> memref<1x1x64x128xf32, #tpu.memory_space<hbm>>
    %dma_start3A_390 = tpu.memref_squeeze %dma_start3A_389 : memref<1x1x64x128xf32, #tpu.memory_space<hbm>> -> memref<64x128xf32, #tpu.memory_space<hbm>>
    tpu.enqueue_dma source(%arg18 : memref<64x128xf32, #tpu.memory_space<vmem>>) target(%dma_start3A_390 : memref<64x128xf32, #tpu.memory_space<hbm>>) target_semaphore(%arg46 : memref<!tpu.dma_semaphore, #tpu.memory_space<semaphore_mem>>)
    %dma_wait3A_391 = arith.constant 10 : i32
    %dma_wait3A_392 = arith.constant 0 : i32
    %dma_wait3A_393 = arith.constant 0 : i32
    %dma_wait3A_394 = tpu.memref_slice %arg4[%add3A, %dma_wait3A_391, %dma_wait3A_392, %dma_wait3A_393] : memref<32x100x64x128xf32, #tpu.memory_space<hbm>> -> memref<1x1x64x128xf32, #tpu.memory_space<hbm>>
    %dma_wait3A_395 = tpu.memref_squeeze %dma_wait3A_394 : memref<1x1x64x128xf32, #tpu.memory_space<hbm>> -> memref<64x128xf32, #tpu.memory_space<hbm>>
    %dma_wait3A_396 = arith.constant 0 : i32
    %dma_wait3A_397 = arith.constant 0 : i32
    %dma_wait3A_398 = tpu.memref_slice %arg4[%add3A, %dma_wait3A_391, %dma_wait3A_396, %dma_wait3A_397] : memref<32x100x64x128xf32, #tpu.memory_space<hbm>> -> memref<1x1x64x128xf32, #tpu.memory_space<hbm>>
    %dma_wait3A_399 = tpu.memref_squeeze %dma_wait3A_398 : memref<1x1x64x128xf32, #tpu.memory_space<hbm>> -> memref<64x128xf32, #tpu.memory_space<hbm>>
    tpu.wait_dma2 semaphore(%arg44 : memref<!tpu.dma_semaphore, #tpu.memory_space<semaphore_mem>>) src(%arg16 : memref<64x128xf32, #tpu.memory_space<vmem>>) dst(%dma_wait3A_399 : memref<64x128xf32, #tpu.memory_space<hbm>>)
    %dma_start3A_400 = arith.constant 1536 : i32
    %dma_start3A_401 = tpu.memref_slice %arg5[%dma_start3A_400] : memref<6400xi32, #tpu.memory_space<vmem>> -> memref<64xi32, #tpu.memory_space<vmem>>
    %dma_start3A_402 = arith.constant 0 : i32
    %dma_start3A_403 = arith.constant 0 : i32
    %dma_start3A_404 = tpu.memref_slice %arg3[%dma_start3A_402, %dma_start3A_403] : memref<100000x128xf32, #tpu.memory_space<hbm>> -> memref<100000x128xf32, #tpu.memory_space<hbm>>
    tpu.enqueue_indirect_dma source(%dma_start3A_404 : memref<100000x128xf32, #tpu.memory_space<hbm>>) target(%arg16 : memref<64x128xf32, #tpu.memory_space<vmem>>) offsets(%dma_start3A_401 : memref<64xi32, #tpu.memory_space<vmem>>) semaphore(%arg30 : memref<!tpu.dma_semaphore, #tpu.memory_space<semaphore_mem>>)
    %dma_wait3A_405 = arith.constant 832 : i32
    %dma_wait3A_406 = tpu.memref_slice %arg5[%dma_wait3A_405] : memref<6400xi32, #tpu.memory_space<vmem>> -> memref<64xi32, #tpu.memory_space<vmem>>
    %dma_wait3A_407 = arith.constant 0 : i32
    %dma_wait3A_408 = arith.constant 0 : i32
    %dma_wait3A_409 = tpu.memref_slice %arg3[%dma_wait3A_407, %dma_wait3A_408] : memref<100000x128xf32, #tpu.memory_space<hbm>> -> memref<100000x128xf32, #tpu.memory_space<hbm>>
    tpu.wait_indirect_dma semaphore(%arg33 : memref<!tpu.dma_semaphore, #tpu.memory_space<semaphore_mem>>) src(%dma_wait3A_409 : memref<100000x128xf32, #tpu.memory_space<hbm>>) dst(%arg19 : memref<64x128xf32, #tpu.memory_space<vmem>>)
    %dma_start3A_410 = arith.constant 13 : i32
    %dma_start3A_411 = arith.constant 0 : i32
    %dma_start3A_412 = arith.constant 0 : i32
    %dma_start3A_413 = tpu.memref_slice %arg4[%add3A, %dma_start3A_410, %dma_start3A_411, %dma_start3A_412] : memref<32x100x64x128xf32, #tpu.memory_space<hbm>> -> memref<1x1x64x128xf32, #tpu.memory_space<hbm>>
    %dma_start3A_414 = tpu.memref_squeeze %dma_start3A_413 : memref<1x1x64x128xf32, #tpu.memory_space<hbm>> -> memref<64x128xf32, #tpu.memory_space<hbm>>
    %dma_start3A_415 = arith.constant 0 : i32
    %dma_start3A_416 = arith.constant 0 : i32
    %dma_start3A_417 = tpu.memref_slice %arg4[%add3A, %dma_start3A_410, %dma_start3A_415, %dma_start3A_416] : memref<32x100x64x128xf32, #tpu.memory_space<hbm>> -> memref<1x1x64x128xf32, #tpu.memory_space<hbm>>
    %dma_start3A_418 = tpu.memref_squeeze %dma_start3A_417 : memref<1x1x64x128xf32, #tpu.memory_space<hbm>> -> memref<64x128xf32, #tpu.memory_space<hbm>>
    tpu.enqueue_dma source(%arg19 : memref<64x128xf32, #tpu.memory_space<vmem>>) target(%dma_start3A_418 : memref<64x128xf32, #tpu.memory_space<hbm>>) target_semaphore(%arg47 : memref<!tpu.dma_semaphore, #tpu.memory_space<semaphore_mem>>)
    %dma_wait3A_419 = arith.constant 11 : i32
    %dma_wait3A_420 = arith.constant 0 : i32
    %dma_wait3A_421 = arith.constant 0 : i32
    %dma_wait3A_422 = tpu.memref_slice %arg4[%add3A, %dma_wait3A_419, %dma_wait3A_420, %dma_wait3A_421] : memref<32x100x64x128xf32, #tpu.memory_space<hbm>> -> memref<1x1x64x128xf32, #tpu.memory_space<hbm>>
    %dma_wait3A_423 = tpu.memref_squeeze %dma_wait3A_422 : memref<1x1x64x128xf32, #tpu.memory_space<hbm>> -> memref<64x128xf32, #tpu.memory_space<hbm>>
    %dma_wait3A_424 = arith.constant 0 : i32
    %dma_wait3A_425 = arith.constant 0 : i32
    %dma_wait3A_426 = tpu.memref_slice %arg4[%add3A, %dma_wait3A_419, %dma_wait3A_424, %dma_wait3A_425] : memref<32x100x64x128xf32, #tpu.memory_space<hbm>> -> memref<1x1x64x128xf32, #tpu.memory_space<hbm>>
    %dma_wait3A_427 = tpu.memref_squeeze %dma_wait3A_426 : memref<1x1x64x128xf32, #tpu.memory_space<hbm>> -> memref<64x128xf32, #tpu.memory_space<hbm>>
    tpu.wait_dma2 semaphore(%arg45 : memref<!tpu.dma_semaphore, #tpu.memory_space<semaphore_mem>>) src(%arg17 : memref<64x128xf32, #tpu.memory_space<vmem>>) dst(%dma_wait3A_427 : memref<64x128xf32, #tpu.memory_space<hbm>>)
    %dma_start3A_428 = arith.constant 1600 : i32
    %dma_start3A_429 = tpu.memref_slice %arg5[%dma_start3A_428] : memref<6400xi32, #tpu.memory_space<vmem>> -> memref<64xi32, #tpu.memory_space<vmem>>
    %dma_start3A_430 = arith.constant 0 : i32
    %dma_start3A_431 = arith.constant 0 : i32
    %dma_start3A_432 = tpu.memref_slice %arg3[%dma_start3A_430, %dma_start3A_431] : memref<100000x128xf32, #tpu.memory_space<hbm>> -> memref<100000x128xf32, #tpu.memory_space<hbm>>
    tpu.enqueue_indirect_dma source(%dma_start3A_432 : memref<100000x128xf32, #tpu.memory_space<hbm>>) target(%arg17 : memref<64x128xf32, #tpu.memory_space<vmem>>) offsets(%dma_start3A_429 : memref<64xi32, #tpu.memory_space<vmem>>) semaphore(%arg31 : memref<!tpu.dma_semaphore, #tpu.memory_space<semaphore_mem>>)
    %scan3A = arith.constant 0 : i32
    %scan3A_433 = arith.constant 1 : i32
    %scan3A_434 = arith.constant 6 : i32
    %scan3A_435 = arith.addi %scan3A_433, %scan3A_434 : i32
    %scan3A_436 = arith.constant 1 : i32
    scf.for %scan3A_502 = %scan3A_433 to %scan3A_435 step %scan3A_436  : i32 {
      %mul3A_503 = arith.constant 14 : i32
      %mul3A_504 = arith.muli %mul3A_503, %scan3A_502 : i32
      %add3A_505 = arith.constant 0 : i32
      %add3A_506 = arith.addi %mul3A_504, %add3A_505 : i32
      %mul3A_507 = arith.constant 64 : i32
      %mul3A_508 = arith.muli %mul3A_507, %add3A_506 : i32
      %dma_wait3A_509 = tpu.memref_slice %arg5[%mul3A_508] : memref<6400xi32, #tpu.memory_space<vmem>> -> memref<64xi32, #tpu.memory_space<vmem>>
      %dma_wait3A_510 = arith.constant 0 : i32
      %dma_wait3A_511 = arith.constant 0 : i32
      %dma_wait3A_512 = tpu.memref_slice %arg3[%dma_wait3A_510, %dma_wait3A_511] : memref<100000x128xf32, #tpu.memory_space<hbm>> -> memref<100000x128xf32, #tpu.memory_space<hbm>>
      tpu.wait_indirect_dma semaphore(%arg20 : memref<!tpu.dma_semaphore, #tpu.memory_space<semaphore_mem>>) src(%dma_wait3A_512 : memref<100000x128xf32, #tpu.memory_space<hbm>>) dst(%arg6 : memref<64x128xf32, #tpu.memory_space<vmem>>)
      %dma_start3A_513 = arith.constant 0 : i32
      %dma_start3A_514 = arith.constant 0 : i32
      %dma_start3A_515 = tpu.memref_slice %arg4[%add3A, %add3A_506, %dma_start3A_513, %dma_start3A_514] : memref<32x100x64x128xf32, #tpu.memory_space<hbm>> -> memref<1x1x64x128xf32, #tpu.memory_space<hbm>>
      %dma_start3A_516 = tpu.memref_squeeze %dma_start3A_515 : memref<1x1x64x128xf32, #tpu.memory_space<hbm>> -> memref<64x128xf32, #tpu.memory_space<hbm>>
      %dma_start3A_517 = arith.constant 0 : i32
      %dma_start3A_518 = arith.constant 0 : i32
      %dma_start3A_519 = tpu.memref_slice %arg4[%add3A, %add3A_506, %dma_start3A_517, %dma_start3A_518] : memref<32x100x64x128xf32, #tpu.memory_space<hbm>> -> memref<1x1x64x128xf32, #tpu.memory_space<hbm>>
      %dma_start3A_520 = tpu.memref_squeeze %dma_start3A_519 : memref<1x1x64x128xf32, #tpu.memory_space<hbm>> -> memref<64x128xf32, #tpu.memory_space<hbm>>
      tpu.enqueue_dma source(%arg6 : memref<64x128xf32, #tpu.memory_space<vmem>>) target(%dma_start3A_520 : memref<64x128xf32, #tpu.memory_space<hbm>>) target_semaphore(%arg34 : memref<!tpu.dma_semaphore, #tpu.memory_space<semaphore_mem>>)
      %add3A_521 = arith.constant 12 : i32
      %add3A_522 = arith.addi %add3A_506, %add3A_521 : i32
      %sub3A = arith.constant 14 : i32
      %sub3A_523 = arith.subi %add3A_522, %sub3A : i32
      %dma_wait3A_524 = arith.constant 0 : i32
      %dma_wait3A_525 = arith.constant 0 : i32
      %dma_wait3A_526 = tpu.memref_slice %arg4[%add3A, %sub3A_523, %dma_wait3A_524, %dma_wait3A_525] : memref<32x100x64x128xf32, #tpu.memory_space<hbm>> -> memref<1x1x64x128xf32, #tpu.memory_space<hbm>>
      %dma_wait3A_527 = tpu.memref_squeeze %dma_wait3A_526 : memref<1x1x64x128xf32, #tpu.memory_space<hbm>> -> memref<64x128xf32, #tpu.memory_space<hbm>>
      %dma_wait3A_528 = arith.constant 0 : i32
      %dma_wait3A_529 = arith.constant 0 : i32
      %dma_wait3A_530 = tpu.memref_slice %arg4[%add3A, %sub3A_523, %dma_wait3A_528, %dma_wait3A_529] : memref<32x100x64x128xf32, #tpu.memory_space<hbm>> -> memref<1x1x64x128xf32, #tpu.memory_space<hbm>>
      %dma_wait3A_531 = tpu.memref_squeeze %dma_wait3A_530 : memref<1x1x64x128xf32, #tpu.memory_space<hbm>> -> memref<64x128xf32, #tpu.memory_space<hbm>>
      tpu.wait_dma2 semaphore(%arg46 : memref<!tpu.dma_semaphore, #tpu.memory_space<semaphore_mem>>) src(%arg18 : memref<64x128xf32, #tpu.memory_space<vmem>>) dst(%dma_wait3A_531 : memref<64x128xf32, #tpu.memory_space<hbm>>)
      %add3A_532 = arith.constant 12 : i32
      %add3A_533 = arith.addi %add3A_506, %add3A_532 : i32
      %lt3A = arith.constant 100 : i32
      %lt3A_534 = arith.cmpi slt, %add3A_533, %lt3A : i32
      %convert_element_type3A = arith.extui %lt3A_534 : i1 to i32
      %cond3A = arith.constant 0 : i32
      %cond3A_535 = arith.cmpi ne, %convert_element_type3A, %cond3A : i32
      scf.if %cond3A_535 {
        %add3A_991 = arith.constant 12 : i32
        %add3A_992 = arith.addi %add3A_506, %add3A_991 : i32
        %mul3A_993 = arith.constant 64 : i32
        %mul3A_994 = arith.muli %mul3A_993, %add3A_992 : i32
        %dma_start3A_995 = tpu.memref_slice %arg5[%mul3A_994] : memref<6400xi32, #tpu.memory_space<vmem>> -> memref<64xi32, #tpu.memory_space<vmem>>
        %dma_start3A_996 = arith.constant 0 : i32
        %dma_start3A_997 = arith.constant 0 : i32
        %dma_start3A_998 = tpu.memref_slice %arg3[%dma_start3A_996, %dma_start3A_997] : memref<100000x128xf32, #tpu.memory_space<hbm>> -> memref<100000x128xf32, #tpu.memory_space<hbm>>
        tpu.enqueue_indirect_dma source(%dma_start3A_998 : memref<100000x128xf32, #tpu.memory_space<hbm>>) target(%arg18 : memref<64x128xf32, #tpu.memory_space<vmem>>) offsets(%dma_start3A_995 : memref<64xi32, #tpu.memory_space<vmem>>) semaphore(%arg32 : memref<!tpu.dma_semaphore, #tpu.memory_space<semaphore_mem>>)
      } else {
      }
      %add3A_536 = arith.constant 1 : i32
      %add3A_537 = arith.addi %mul3A_504, %add3A_536 : i32
      %mul3A_538 = arith.constant 64 : i32
      %mul3A_539 = arith.muli %mul3A_538, %add3A_537 : i32
      %dma_wait3A_540 = tpu.memref_slice %arg5[%mul3A_539] : memref<6400xi32, #tpu.memory_space<vmem>> -> memref<64xi32, #tpu.memory_space<vmem>>
      %dma_wait3A_541 = arith.constant 0 : i32
      %dma_wait3A_542 = arith.constant 0 : i32
      %dma_wait3A_543 = tpu.memref_slice %arg3[%dma_wait3A_541, %dma_wait3A_542] : memref<100000x128xf32, #tpu.memory_space<hbm>> -> memref<100000x128xf32, #tpu.memory_space<hbm>>
      tpu.wait_indirect_dma semaphore(%arg21 : memref<!tpu.dma_semaphore, #tpu.memory_space<semaphore_mem>>) src(%dma_wait3A_543 : memref<100000x128xf32, #tpu.memory_space<hbm>>) dst(%arg7 : memref<64x128xf32, #tpu.memory_space<vmem>>)
      %dma_start3A_544 = arith.constant 0 : i32
      %dma_start3A_545 = arith.constant 0 : i32
      %dma_start3A_546 = tpu.memref_slice %arg4[%add3A, %add3A_537, %dma_start3A_544, %dma_start3A_545] : memref<32x100x64x128xf32, #tpu.memory_space<hbm>> -> memref<1x1x64x128xf32, #tpu.memory_space<hbm>>
      %dma_start3A_547 = tpu.memref_squeeze %dma_start3A_546 : memref<1x1x64x128xf32, #tpu.memory_space<hbm>> -> memref<64x128xf32, #tpu.memory_space<hbm>>
      %dma_start3A_548 = arith.constant 0 : i32
      %dma_start3A_549 = arith.constant 0 : i32
      %dma_start3A_550 = tpu.memref_slice %arg4[%add3A, %add3A_537, %dma_start3A_548, %dma_start3A_549] : memref<32x100x64x128xf32, #tpu.memory_space<hbm>> -> memref<1x1x64x128xf32, #tpu.memory_space<hbm>>
      %dma_start3A_551 = tpu.memref_squeeze %dma_start3A_550 : memref<1x1x64x128xf32, #tpu.memory_space<hbm>> -> memref<64x128xf32, #tpu.memory_space<hbm>>
      tpu.enqueue_dma source(%arg7 : memref<64x128xf32, #tpu.memory_space<vmem>>) target(%dma_start3A_551 : memref<64x128xf32, #tpu.memory_space<hbm>>) target_semaphore(%arg35 : memref<!tpu.dma_semaphore, #tpu.memory_space<semaphore_mem>>)
      %add3A_552 = arith.constant 12 : i32
      %add3A_553 = arith.addi %add3A_537, %add3A_552 : i32
      %sub3A_554 = arith.constant 14 : i32
      %sub3A_555 = arith.subi %add3A_553, %sub3A_554 : i32
      %dma_wait3A_556 = arith.constant 0 : i32
      %dma_wait3A_557 = arith.constant 0 : i32
      %dma_wait3A_558 = tpu.memref_slice %arg4[%add3A, %sub3A_555, %dma_wait3A_556, %dma_wait3A_557] : memref<32x100x64x128xf32, #tpu.memory_space<hbm>> -> memref<1x1x64x128xf32, #tpu.memory_space<hbm>>
      %dma_wait3A_559 = tpu.memref_squeeze %dma_wait3A_558 : memref<1x1x64x128xf32, #tpu.memory_space<hbm>> -> memref<64x128xf32, #tpu.memory_space<hbm>>
      %dma_wait3A_560 = arith.constant 0 : i32
      %dma_wait3A_561 = arith.constant 0 : i32
      %dma_wait3A_562 = tpu.memref_slice %arg4[%add3A, %sub3A_555, %dma_wait3A_560, %dma_wait3A_561] : memref<32x100x64x128xf32, #tpu.memory_space<hbm>> -> memref<1x1x64x128xf32, #tpu.memory_space<hbm>>
      %dma_wait3A_563 = tpu.memref_squeeze %dma_wait3A_562 : memref<1x1x64x128xf32, #tpu.memory_space<hbm>> -> memref<64x128xf32, #tpu.memory_space<hbm>>
      tpu.wait_dma2 semaphore(%arg47 : memref<!tpu.dma_semaphore, #tpu.memory_space<semaphore_mem>>) src(%arg19 : memref<64x128xf32, #tpu.memory_space<vmem>>) dst(%dma_wait3A_563 : memref<64x128xf32, #tpu.memory_space<hbm>>)
      %add3A_564 = arith.constant 12 : i32
      %add3A_565 = arith.addi %add3A_537, %add3A_564 : i32
      %lt3A_566 = arith.constant 100 : i32
      %lt3A_567 = arith.cmpi slt, %add3A_565, %lt3A_566 : i32
      %convert_element_type3A_568 = arith.extui %lt3A_567 : i1 to i32
      %cond3A_569 = arith.constant 0 : i32
      %cond3A_570 = arith.cmpi ne, %convert_element_type3A_568, %cond3A_569 : i32
      scf.if %cond3A_570 {
        %add3A_991 = arith.constant 12 : i32
        %add3A_992 = arith.addi %add3A_537, %add3A_991 : i32
        %mul3A_993 = arith.constant 64 : i32
        %mul3A_994 = arith.muli %mul3A_993, %add3A_992 : i32
        %dma_start3A_995 = tpu.memref_slice %arg5[%mul3A_994] : memref<6400xi32, #tpu.memory_space<vmem>> -> memref<64xi32, #tpu.memory_space<vmem>>
        %dma_start3A_996 = arith.constant 0 : i32
        %dma_start3A_997 = arith.constant 0 : i32
        %dma_start3A_998 = tpu.memref_slice %arg3[%dma_start3A_996, %dma_start3A_997] : memref<100000x128xf32, #tpu.memory_space<hbm>> -> memref<100000x128xf32, #tpu.memory_space<hbm>>
        tpu.enqueue_indirect_dma source(%dma_start3A_998 : memref<100000x128xf32, #tpu.memory_space<hbm>>) target(%arg19 : memref<64x128xf32, #tpu.memory_space<vmem>>) offsets(%dma_start3A_995 : memref<64xi32, #tpu.memory_space<vmem>>) semaphore(%arg33 : memref<!tpu.dma_semaphore, #tpu.memory_space<semaphore_mem>>)
      } else {
      }
      %add3A_571 = arith.constant 2 : i32
      %add3A_572 = arith.addi %mul3A_504, %add3A_571 : i32
      %mul3A_573 = arith.constant 64 : i32
      %mul3A_574 = arith.muli %mul3A_573, %add3A_572 : i32
      %dma_wait3A_575 = tpu.memref_slice %arg5[%mul3A_574] : memref<6400xi32, #tpu.memory_space<vmem>> -> memref<64xi32, #tpu.memory_space<vmem>>
      %dma_wait3A_576 = arith.constant 0 : i32
      %dma_wait3A_577 = arith.constant 0 : i32
      %dma_wait3A_578 = tpu.memref_slice %arg3[%dma_wait3A_576, %dma_wait3A_577] : memref<100000x128xf32, #tpu.memory_space<hbm>> -> memref<100000x128xf32, #tpu.memory_space<hbm>>
      tpu.wait_indirect_dma semaphore(%arg22 : memref<!tpu.dma_semaphore, #tpu.memory_space<semaphore_mem>>) src(%dma_wait3A_578 : memref<100000x128xf32, #tpu.memory_space<hbm>>) dst(%arg8 : memref<64x128xf32, #tpu.memory_space<vmem>>)
      %dma_start3A_579 = arith.constant 0 : i32
      %dma_start3A_580 = arith.constant 0 : i32
      %dma_start3A_581 = tpu.memref_slice %arg4[%add3A, %add3A_572, %dma_start3A_579, %dma_start3A_580] : memref<32x100x64x128xf32, #tpu.memory_space<hbm>> -> memref<1x1x64x128xf32, #tpu.memory_space<hbm>>
      %dma_start3A_582 = tpu.memref_squeeze %dma_start3A_581 : memref<1x1x64x128xf32, #tpu.memory_space<hbm>> -> memref<64x128xf32, #tpu.memory_space<hbm>>
      %dma_start3A_583 = arith.constant 0 : i32
      %dma_start3A_584 = arith.constant 0 : i32
      %dma_start3A_585 = tpu.memref_slice %arg4[%add3A, %add3A_572, %dma_start3A_583, %dma_start3A_584] : memref<32x100x64x128xf32, #tpu.memory_space<hbm>> -> memref<1x1x64x128xf32, #tpu.memory_space<hbm>>
      %dma_start3A_586 = tpu.memref_squeeze %dma_start3A_585 : memref<1x1x64x128xf32, #tpu.memory_space<hbm>> -> memref<64x128xf32, #tpu.memory_space<hbm>>
      tpu.enqueue_dma source(%arg8 : memref<64x128xf32, #tpu.memory_space<vmem>>) target(%dma_start3A_586 : memref<64x128xf32, #tpu.memory_space<hbm>>) target_semaphore(%arg36 : memref<!tpu.dma_semaphore, #tpu.memory_space<semaphore_mem>>)
      %add3A_587 = arith.constant 12 : i32
      %add3A_588 = arith.addi %add3A_572, %add3A_587 : i32
      %sub3A_589 = arith.constant 14 : i32
      %sub3A_590 = arith.subi %add3A_588, %sub3A_589 : i32
      %dma_wait3A_591 = arith.constant 0 : i32
      %dma_wait3A_592 = arith.constant 0 : i32
      %dma_wait3A_593 = tpu.memref_slice %arg4[%add3A, %sub3A_590, %dma_wait3A_591, %dma_wait3A_592] : memref<32x100x64x128xf32, #tpu.memory_space<hbm>> -> memref<1x1x64x128xf32, #tpu.memory_space<hbm>>
      %dma_wait3A_594 = tpu.memref_squeeze %dma_wait3A_593 : memref<1x1x64x128xf32, #tpu.memory_space<hbm>> -> memref<64x128xf32, #tpu.memory_space<hbm>>
      %dma_wait3A_595 = arith.constant 0 : i32
      %dma_wait3A_596 = arith.constant 0 : i32
      %dma_wait3A_597 = tpu.memref_slice %arg4[%add3A, %sub3A_590, %dma_wait3A_595, %dma_wait3A_596] : memref<32x100x64x128xf32, #tpu.memory_space<hbm>> -> memref<1x1x64x128xf32, #tpu.memory_space<hbm>>
      %dma_wait3A_598 = tpu.memref_squeeze %dma_wait3A_597 : memref<1x1x64x128xf32, #tpu.memory_space<hbm>> -> memref<64x128xf32, #tpu.memory_space<hbm>>
      tpu.wait_dma2 semaphore(%arg34 : memref<!tpu.dma_semaphore, #tpu.memory_space<semaphore_mem>>) src(%arg6 : memref<64x128xf32, #tpu.memory_space<vmem>>) dst(%dma_wait3A_598 : memref<64x128xf32, #tpu.memory_space<hbm>>)
      %add3A_599 = arith.constant 12 : i32
      %add3A_600 = arith.addi %add3A_572, %add3A_599 : i32
      %lt3A_601 = arith.constant 100 : i32
      %lt3A_602 = arith.cmpi slt, %add3A_600, %lt3A_601 : i32
      %convert_element_type3A_603 = arith.extui %lt3A_602 : i1 to i32
      %cond3A_604 = arith.constant 0 : i32
      %cond3A_605 = arith.cmpi ne, %convert_element_type3A_603, %cond3A_604 : i32
      scf.if %cond3A_605 {
        %add3A_991 = arith.constant 12 : i32
        %add3A_992 = arith.addi %add3A_572, %add3A_991 : i32
        %mul3A_993 = arith.constant 64 : i32
        %mul3A_994 = arith.muli %mul3A_993, %add3A_992 : i32
        %dma_start3A_995 = tpu.memref_slice %arg5[%mul3A_994] : memref<6400xi32, #tpu.memory_space<vmem>> -> memref<64xi32, #tpu.memory_space<vmem>>
        %dma_start3A_996 = arith.constant 0 : i32
        %dma_start3A_997 = arith.constant 0 : i32
        %dma_start3A_998 = tpu.memref_slice %arg3[%dma_start3A_996, %dma_start3A_997] : memref<100000x128xf32, #tpu.memory_space<hbm>> -> memref<100000x128xf32, #tpu.memory_space<hbm>>
        tpu.enqueue_indirect_dma source(%dma_start3A_998 : memref<100000x128xf32, #tpu.memory_space<hbm>>) target(%arg6 : memref<64x128xf32, #tpu.memory_space<vmem>>) offsets(%dma_start3A_995 : memref<64xi32, #tpu.memory_space<vmem>>) semaphore(%arg20 : memref<!tpu.dma_semaphore, #tpu.memory_space<semaphore_mem>>)
      } else {
      }
      %add3A_606 = arith.constant 3 : i32
      %add3A_607 = arith.addi %mul3A_504, %add3A_606 : i32
      %mul3A_608 = arith.constant 64 : i32
      %mul3A_609 = arith.muli %mul3A_608, %add3A_607 : i32
      %dma_wait3A_610 = tpu.memref_slice %arg5[%mul3A_609] : memref<6400xi32, #tpu.memory_space<vmem>> -> memref<64xi32, #tpu.memory_space<vmem>>
      %dma_wait3A_611 = arith.constant 0 : i32
      %dma_wait3A_612 = arith.constant 0 : i32
      %dma_wait3A_613 = tpu.memref_slice %arg3[%dma_wait3A_611, %dma_wait3A_612] : memref<100000x128xf32, #tpu.memory_space<hbm>> -> memref<100000x128xf32, #tpu.memory_space<hbm>>
      tpu.wait_indirect_dma semaphore(%arg23 : memref<!tpu.dma_semaphore, #tpu.memory_space<semaphore_mem>>) src(%dma_wait3A_613 : memref<100000x128xf32, #tpu.memory_space<hbm>>) dst(%arg9 : memref<64x128xf32, #tpu.memory_space<vmem>>)
      %dma_start3A_614 = arith.constant 0 : i32
      %dma_start3A_615 = arith.constant 0 : i32
      %dma_start3A_616 = tpu.memref_slice %arg4[%add3A, %add3A_607, %dma_start3A_614, %dma_start3A_615] : memref<32x100x64x128xf32, #tpu.memory_space<hbm>> -> memref<1x1x64x128xf32, #tpu.memory_space<hbm>>
      %dma_start3A_617 = tpu.memref_squeeze %dma_start3A_616 : memref<1x1x64x128xf32, #tpu.memory_space<hbm>> -> memref<64x128xf32, #tpu.memory_space<hbm>>
      %dma_start3A_618 = arith.constant 0 : i32
      %dma_start3A_619 = arith.constant 0 : i32
      %dma_start3A_620 = tpu.memref_slice %arg4[%add3A, %add3A_607, %dma_start3A_618, %dma_start3A_619] : memref<32x100x64x128xf32, #tpu.memory_space<hbm>> -> memref<1x1x64x128xf32, #tpu.memory_space<hbm>>
      %dma_start3A_621 = tpu.memref_squeeze %dma_start3A_620 : memref<1x1x64x128xf32, #tpu.memory_space<hbm>> -> memref<64x128xf32, #tpu.memory_space<hbm>>
      tpu.enqueue_dma source(%arg9 : memref<64x128xf32, #tpu.memory_space<vmem>>) target(%dma_start3A_621 : memref<64x128xf32, #tpu.memory_space<hbm>>) target_semaphore(%arg37 : memref<!tpu.dma_semaphore, #tpu.memory_space<semaphore_mem>>)
      %add3A_622 = arith.constant 12 : i32
      %add3A_623 = arith.addi %add3A_607, %add3A_622 : i32
      %sub3A_624 = arith.constant 14 : i32
      %sub3A_625 = arith.subi %add3A_623, %sub3A_624 : i32
      %dma_wait3A_626 = arith.constant 0 : i32
      %dma_wait3A_627 = arith.constant 0 : i32
      %dma_wait3A_628 = tpu.memref_slice %arg4[%add3A, %sub3A_625, %dma_wait3A_626, %dma_wait3A_627] : memref<32x100x64x128xf32, #tpu.memory_space<hbm>> -> memref<1x1x64x128xf32, #tpu.memory_space<hbm>>
      %dma_wait3A_629 = tpu.memref_squeeze %dma_wait3A_628 : memref<1x1x64x128xf32, #tpu.memory_space<hbm>> -> memref<64x128xf32, #tpu.memory_space<hbm>>
      %dma_wait3A_630 = arith.constant 0 : i32
      %dma_wait3A_631 = arith.constant 0 : i32
      %dma_wait3A_632 = tpu.memref_slice %arg4[%add3A, %sub3A_625, %dma_wait3A_630, %dma_wait3A_631] : memref<32x100x64x128xf32, #tpu.memory_space<hbm>> -> memref<1x1x64x128xf32, #tpu.memory_space<hbm>>
      %dma_wait3A_633 = tpu.memref_squeeze %dma_wait3A_632 : memref<1x1x64x128xf32, #tpu.memory_space<hbm>> -> memref<64x128xf32, #tpu.memory_space<hbm>>
      tpu.wait_dma2 semaphore(%arg35 : memref<!tpu.dma_semaphore, #tpu.memory_space<semaphore_mem>>) src(%arg7 : memref<64x128xf32, #tpu.memory_space<vmem>>) dst(%dma_wait3A_633 : memref<64x128xf32, #tpu.memory_space<hbm>>)
      %add3A_634 = arith.constant 12 : i32
      %add3A_635 = arith.addi %add3A_607, %add3A_634 : i32
      %lt3A_636 = arith.constant 100 : i32
      %lt3A_637 = arith.cmpi slt, %add3A_635, %lt3A_636 : i32
      %convert_element_type3A_638 = arith.extui %lt3A_637 : i1 to i32
      %cond3A_639 = arith.constant 0 : i32
      %cond3A_640 = arith.cmpi ne, %convert_element_type3A_638, %cond3A_639 : i32
      scf.if %cond3A_640 {
        %add3A_991 = arith.constant 12 : i32
        %add3A_992 = arith.addi %add3A_607, %add3A_991 : i32
        %mul3A_993 = arith.constant 64 : i32
        %mul3A_994 = arith.muli %mul3A_993, %add3A_992 : i32
        %dma_start3A_995 = tpu.memref_slice %arg5[%mul3A_994] : memref<6400xi32, #tpu.memory_space<vmem>> -> memref<64xi32, #tpu.memory_space<vmem>>
        %dma_start3A_996 = arith.constant 0 : i32
        %dma_start3A_997 = arith.constant 0 : i32
        %dma_start3A_998 = tpu.memref_slice %arg3[%dma_start3A_996, %dma_start3A_997] : memref<100000x128xf32, #tpu.memory_space<hbm>> -> memref<100000x128xf32, #tpu.memory_space<hbm>>
        tpu.enqueue_indirect_dma source(%dma_start3A_998 : memref<100000x128xf32, #tpu.memory_space<hbm>>) target(%arg7 : memref<64x128xf32, #tpu.memory_space<vmem>>) offsets(%dma_start3A_995 : memref<64xi32, #tpu.memory_space<vmem>>) semaphore(%arg21 : memref<!tpu.dma_semaphore, #tpu.memory_space<semaphore_mem>>)
      } else {
      }
      %add3A_641 = arith.constant 4 : i32
      %add3A_642 = arith.addi %mul3A_504, %add3A_641 : i32
      %mul3A_643 = arith.constant 64 : i32
      %mul3A_644 = arith.muli %mul3A_643, %add3A_642 : i32
      %dma_wait3A_645 = tpu.memref_slice %arg5[%mul3A_644] : memref<6400xi32, #tpu.memory_space<vmem>> -> memref<64xi32, #tpu.memory_space<vmem>>
      %dma_wait3A_646 = arith.constant 0 : i32
      %dma_wait3A_647 = arith.constant 0 : i32
      %dma_wait3A_648 = tpu.memref_slice %arg3[%dma_wait3A_646, %dma_wait3A_647] : memref<100000x128xf32, #tpu.memory_space<hbm>> -> memref<100000x128xf32, #tpu.memory_space<hbm>>
      tpu.wait_indirect_dma semaphore(%arg24 : memref<!tpu.dma_semaphore, #tpu.memory_space<semaphore_mem>>) src(%dma_wait3A_648 : memref<100000x128xf32, #tpu.memory_space<hbm>>) dst(%arg10 : memref<64x128xf32, #tpu.memory_space<vmem>>)
      %dma_start3A_649 = arith.constant 0 : i32
      %dma_start3A_650 = arith.constant 0 : i32
      %dma_start3A_651 = tpu.memref_slice %arg4[%add3A, %add3A_642, %dma_start3A_649, %dma_start3A_650] : memref<32x100x64x128xf32, #tpu.memory_space<hbm>> -> memref<1x1x64x128xf32, #tpu.memory_space<hbm>>
      %dma_start3A_652 = tpu.memref_squeeze %dma_start3A_651 : memref<1x1x64x128xf32, #tpu.memory_space<hbm>> -> memref<64x128xf32, #tpu.memory_space<hbm>>
      %dma_start3A_653 = arith.constant 0 : i32
      %dma_start3A_654 = arith.constant 0 : i32
      %dma_start3A_655 = tpu.memref_slice %arg4[%add3A, %add3A_642, %dma_start3A_653, %dma_start3A_654] : memref<32x100x64x128xf32, #tpu.memory_space<hbm>> -> memref<1x1x64x128xf32, #tpu.memory_space<hbm>>
      %dma_start3A_656 = tpu.memref_squeeze %dma_start3A_655 : memref<1x1x64x128xf32, #tpu.memory_space<hbm>> -> memref<64x128xf32, #tpu.memory_space<hbm>>
      tpu.enqueue_dma source(%arg10 : memref<64x128xf32, #tpu.memory_space<vmem>>) target(%dma_start3A_656 : memref<64x128xf32, #tpu.memory_space<hbm>>) target_semaphore(%arg38 : memref<!tpu.dma_semaphore, #tpu.memory_space<semaphore_mem>>)
      %add3A_657 = arith.constant 12 : i32
      %add3A_658 = arith.addi %add3A_642, %add3A_657 : i32
      %sub3A_659 = arith.constant 14 : i32
      %sub3A_660 = arith.subi %add3A_658, %sub3A_659 : i32
      %dma_wait3A_661 = arith.constant 0 : i32
      %dma_wait3A_662 = arith.constant 0 : i32
      %dma_wait3A_663 = tpu.memref_slice %arg4[%add3A, %sub3A_660, %dma_wait3A_661, %dma_wait3A_662] : memref<32x100x64x128xf32, #tpu.memory_space<hbm>> -> memref<1x1x64x128xf32, #tpu.memory_space<hbm>>
      %dma_wait3A_664 = tpu.memref_squeeze %dma_wait3A_663 : memref<1x1x64x128xf32, #tpu.memory_space<hbm>> -> memref<64x128xf32, #tpu.memory_space<hbm>>
      %dma_wait3A_665 = arith.constant 0 : i32
      %dma_wait3A_666 = arith.constant 0 : i32
      %dma_wait3A_667 = tpu.memref_slice %arg4[%add3A, %sub3A_660, %dma_wait3A_665, %dma_wait3A_666] : memref<32x100x64x128xf32, #tpu.memory_space<hbm>> -> memref<1x1x64x128xf32, #tpu.memory_space<hbm>>
      %dma_wait3A_668 = tpu.memref_squeeze %dma_wait3A_667 : memref<1x1x64x128xf32, #tpu.memory_space<hbm>> -> memref<64x128xf32, #tpu.memory_space<hbm>>
      tpu.wait_dma2 semaphore(%arg36 : memref<!tpu.dma_semaphore, #tpu.memory_space<semaphore_mem>>) src(%arg8 : memref<64x128xf32, #tpu.memory_space<vmem>>) dst(%dma_wait3A_668 : memref<64x128xf32, #tpu.memory_space<hbm>>)
      %add3A_669 = arith.constant 12 : i32
      %add3A_670 = arith.addi %add3A_642, %add3A_669 : i32
      %lt3A_671 = arith.constant 100 : i32
      %lt3A_672 = arith.cmpi slt, %add3A_670, %lt3A_671 : i32
      %convert_element_type3A_673 = arith.extui %lt3A_672 : i1 to i32
      %cond3A_674 = arith.constant 0 : i32
      %cond3A_675 = arith.cmpi ne, %convert_element_type3A_673, %cond3A_674 : i32
      scf.if %cond3A_675 {
        %add3A_991 = arith.constant 12 : i32
        %add3A_992 = arith.addi %add3A_642, %add3A_991 : i32
        %mul3A_993 = arith.constant 64 : i32
        %mul3A_994 = arith.muli %mul3A_993, %add3A_992 : i32
        %dma_start3A_995 = tpu.memref_slice %arg5[%mul3A_994] : memref<6400xi32, #tpu.memory_space<vmem>> -> memref<64xi32, #tpu.memory_space<vmem>>
        %dma_start3A_996 = arith.constant 0 : i32
        %dma_start3A_997 = arith.constant 0 : i32
        %dma_start3A_998 = tpu.memref_slice %arg3[%dma_start3A_996, %dma_start3A_997] : memref<100000x128xf32, #tpu.memory_space<hbm>> -> memref<100000x128xf32, #tpu.memory_space<hbm>>
        tpu.enqueue_indirect_dma source(%dma_start3A_998 : memref<100000x128xf32, #tpu.memory_space<hbm>>) target(%arg8 : memref<64x128xf32, #tpu.memory_space<vmem>>) offsets(%dma_start3A_995 : memref<64xi32, #tpu.memory_space<vmem>>) semaphore(%arg22 : memref<!tpu.dma_semaphore, #tpu.memory_space<semaphore_mem>>)
      } else {
      }
      %add3A_676 = arith.constant 5 : i32
      %add3A_677 = arith.addi %mul3A_504, %add3A_676 : i32
      %mul3A_678 = arith.constant 64 : i32
      %mul3A_679 = arith.muli %mul3A_678, %add3A_677 : i32
      %dma_wait3A_680 = tpu.memref_slice %arg5[%mul3A_679] : memref<6400xi32, #tpu.memory_space<vmem>> -> memref<64xi32, #tpu.memory_space<vmem>>
      %dma_wait3A_681 = arith.constant 0 : i32
      %dma_wait3A_682 = arith.constant 0 : i32
      %dma_wait3A_683 = tpu.memref_slice %arg3[%dma_wait3A_681, %dma_wait3A_682] : memref<100000x128xf32, #tpu.memory_space<hbm>> -> memref<100000x128xf32, #tpu.memory_space<hbm>>
      tpu.wait_indirect_dma semaphore(%arg25 : memref<!tpu.dma_semaphore, #tpu.memory_space<semaphore_mem>>) src(%dma_wait3A_683 : memref<100000x128xf32, #tpu.memory_space<hbm>>) dst(%arg11 : memref<64x128xf32, #tpu.memory_space<vmem>>)
      %dma_start3A_684 = arith.constant 0 : i32
      %dma_start3A_685 = arith.constant 0 : i32
      %dma_start3A_686 = tpu.memref_slice %arg4[%add3A, %add3A_677, %dma_start3A_684, %dma_start3A_685] : memref<32x100x64x128xf32, #tpu.memory_space<hbm>> -> memref<1x1x64x128xf32, #tpu.memory_space<hbm>>
      %dma_start3A_687 = tpu.memref_squeeze %dma_start3A_686 : memref<1x1x64x128xf32, #tpu.memory_space<hbm>> -> memref<64x128xf32, #tpu.memory_space<hbm>>
      %dma_start3A_688 = arith.constant 0 : i32
      %dma_start3A_689 = arith.constant 0 : i32
      %dma_start3A_690 = tpu.memref_slice %arg4[%add3A, %add3A_677, %dma_start3A_688, %dma_start3A_689] : memref<32x100x64x128xf32, #tpu.memory_space<hbm>> -> memref<1x1x64x128xf32, #tpu.memory_space<hbm>>
      %dma_start3A_691 = tpu.memref_squeeze %dma_start3A_690 : memref<1x1x64x128xf32, #tpu.memory_space<hbm>> -> memref<64x128xf32, #tpu.memory_space<hbm>>
      tpu.enqueue_dma source(%arg11 : memref<64x128xf32, #tpu.memory_space<vmem>>) target(%dma_start3A_691 : memref<64x128xf32, #tpu.memory_space<hbm>>) target_semaphore(%arg39 : memref<!tpu.dma_semaphore, #tpu.memory_space<semaphore_mem>>)
      %add3A_692 = arith.constant 12 : i32
      %add3A_693 = arith.addi %add3A_677, %add3A_692 : i32
      %sub3A_694 = arith.constant 14 : i32
      %sub3A_695 = arith.subi %add3A_693, %sub3A_694 : i32
      %dma_wait3A_696 = arith.constant 0 : i32
      %dma_wait3A_697 = arith.constant 0 : i32
      %dma_wait3A_698 = tpu.memref_slice %arg4[%add3A, %sub3A_695, %dma_wait3A_696, %dma_wait3A_697] : memref<32x100x64x128xf32, #tpu.memory_space<hbm>> -> memref<1x1x64x128xf32, #tpu.memory_space<hbm>>
      %dma_wait3A_699 = tpu.memref_squeeze %dma_wait3A_698 : memref<1x1x64x128xf32, #tpu.memory_space<hbm>> -> memref<64x128xf32, #tpu.memory_space<hbm>>
      %dma_wait3A_700 = arith.constant 0 : i32
      %dma_wait3A_701 = arith.constant 0 : i32
      %dma_wait3A_702 = tpu.memref_slice %arg4[%add3A, %sub3A_695, %dma_wait3A_700, %dma_wait3A_701] : memref<32x100x64x128xf32, #tpu.memory_space<hbm>> -> memref<1x1x64x128xf32, #tpu.memory_space<hbm>>
      %dma_wait3A_703 = tpu.memref_squeeze %dma_wait3A_702 : memref<1x1x64x128xf32, #tpu.memory_space<hbm>> -> memref<64x128xf32, #tpu.memory_space<hbm>>
      tpu.wait_dma2 semaphore(%arg37 : memref<!tpu.dma_semaphore, #tpu.memory_space<semaphore_mem>>) src(%arg9 : memref<64x128xf32, #tpu.memory_space<vmem>>) dst(%dma_wait3A_703 : memref<64x128xf32, #tpu.memory_space<hbm>>)
      %add3A_704 = arith.constant 12 : i32
      %add3A_705 = arith.addi %add3A_677, %add3A_704 : i32
      %lt3A_706 = arith.constant 100 : i32
      %lt3A_707 = arith.cmpi slt, %add3A_705, %lt3A_706 : i32
      %convert_element_type3A_708 = arith.extui %lt3A_707 : i1 to i32
      %cond3A_709 = arith.constant 0 : i32
      %cond3A_710 = arith.cmpi ne, %convert_element_type3A_708, %cond3A_709 : i32
      scf.if %cond3A_710 {
        %add3A_991 = arith.constant 12 : i32
        %add3A_992 = arith.addi %add3A_677, %add3A_991 : i32
        %mul3A_993 = arith.constant 64 : i32
        %mul3A_994 = arith.muli %mul3A_993, %add3A_992 : i32
        %dma_start3A_995 = tpu.memref_slice %arg5[%mul3A_994] : memref<6400xi32, #tpu.memory_space<vmem>> -> memref<64xi32, #tpu.memory_space<vmem>>
        %dma_start3A_996 = arith.constant 0 : i32
        %dma_start3A_997 = arith.constant 0 : i32
        %dma_start3A_998 = tpu.memref_slice %arg3[%dma_start3A_996, %dma_start3A_997] : memref<100000x128xf32, #tpu.memory_space<hbm>> -> memref<100000x128xf32, #tpu.memory_space<hbm>>
        tpu.enqueue_indirect_dma source(%dma_start3A_998 : memref<100000x128xf32, #tpu.memory_space<hbm>>) target(%arg9 : memref<64x128xf32, #tpu.memory_space<vmem>>) offsets(%dma_start3A_995 : memref<64xi32, #tpu.memory_space<vmem>>) semaphore(%arg23 : memref<!tpu.dma_semaphore, #tpu.memory_space<semaphore_mem>>)
      } else {
      }
      %add3A_711 = arith.constant 6 : i32
      %add3A_712 = arith.addi %mul3A_504, %add3A_711 : i32
      %mul3A_713 = arith.constant 64 : i32
      %mul3A_714 = arith.muli %mul3A_713, %add3A_712 : i32
      %dma_wait3A_715 = tpu.memref_slice %arg5[%mul3A_714] : memref<6400xi32, #tpu.memory_space<vmem>> -> memref<64xi32, #tpu.memory_space<vmem>>
      %dma_wait3A_716 = arith.constant 0 : i32
      %dma_wait3A_717 = arith.constant 0 : i32
      %dma_wait3A_718 = tpu.memref_slice %arg3[%dma_wait3A_716, %dma_wait3A_717] : memref<100000x128xf32, #tpu.memory_space<hbm>> -> memref<100000x128xf32, #tpu.memory_space<hbm>>
      tpu.wait_indirect_dma semaphore(%arg26 : memref<!tpu.dma_semaphore, #tpu.memory_space<semaphore_mem>>) src(%dma_wait3A_718 : memref<100000x128xf32, #tpu.memory_space<hbm>>) dst(%arg12 : memref<64x128xf32, #tpu.memory_space<vmem>>)
      %dma_start3A_719 = arith.constant 0 : i32
      %dma_start3A_720 = arith.constant 0 : i32
      %dma_start3A_721 = tpu.memref_slice %arg4[%add3A, %add3A_712, %dma_start3A_719, %dma_start3A_720] : memref<32x100x64x128xf32, #tpu.memory_space<hbm>> -> memref<1x1x64x128xf32, #tpu.memory_space<hbm>>
      %dma_start3A_722 = tpu.memref_squeeze %dma_start3A_721 : memref<1x1x64x128xf32, #tpu.memory_space<hbm>> -> memref<64x128xf32, #tpu.memory_space<hbm>>
      %dma_start3A_723 = arith.constant 0 : i32
      %dma_start3A_724 = arith.constant 0 : i32
      %dma_start3A_725 = tpu.memref_slice %arg4[%add3A, %add3A_712, %dma_start3A_723, %dma_start3A_724] : memref<32x100x64x128xf32, #tpu.memory_space<hbm>> -> memref<1x1x64x128xf32, #tpu.memory_space<hbm>>
      %dma_start3A_726 = tpu.memref_squeeze %dma_start3A_725 : memref<1x1x64x128xf32, #tpu.memory_space<hbm>> -> memref<64x128xf32, #tpu.memory_space<hbm>>
      tpu.enqueue_dma source(%arg12 : memref<64x128xf32, #tpu.memory_space<vmem>>) target(%dma_start3A_726 : memref<64x128xf32, #tpu.memory_space<hbm>>) target_semaphore(%arg40 : memref<!tpu.dma_semaphore, #tpu.memory_space<semaphore_mem>>)
      %add3A_727 = arith.constant 12 : i32
      %add3A_728 = arith.addi %add3A_712, %add3A_727 : i32
      %sub3A_729 = arith.constant 14 : i32
      %sub3A_730 = arith.subi %add3A_728, %sub3A_729 : i32
      %dma_wait3A_731 = arith.constant 0 : i32
      %dma_wait3A_732 = arith.constant 0 : i32
      %dma_wait3A_733 = tpu.memref_slice %arg4[%add3A, %sub3A_730, %dma_wait3A_731, %dma_wait3A_732] : memref<32x100x64x128xf32, #tpu.memory_space<hbm>> -> memref<1x1x64x128xf32, #tpu.memory_space<hbm>>
      %dma_wait3A_734 = tpu.memref_squeeze %dma_wait3A_733 : memref<1x1x64x128xf32, #tpu.memory_space<hbm>> -> memref<64x128xf32, #tpu.memory_space<hbm>>
      %dma_wait3A_735 = arith.constant 0 : i32
      %dma_wait3A_736 = arith.constant 0 : i32
      %dma_wait3A_737 = tpu.memref_slice %arg4[%add3A, %sub3A_730, %dma_wait3A_735, %dma_wait3A_736] : memref<32x100x64x128xf32, #tpu.memory_space<hbm>> -> memref<1x1x64x128xf32, #tpu.memory_space<hbm>>
      %dma_wait3A_738 = tpu.memref_squeeze %dma_wait3A_737 : memref<1x1x64x128xf32, #tpu.memory_space<hbm>> -> memref<64x128xf32, #tpu.memory_space<hbm>>
      tpu.wait_dma2 semaphore(%arg38 : memref<!tpu.dma_semaphore, #tpu.memory_space<semaphore_mem>>) src(%arg10 : memref<64x128xf32, #tpu.memory_space<vmem>>) dst(%dma_wait3A_738 : memref<64x128xf32, #tpu.memory_space<hbm>>)
      %add3A_739 = arith.constant 12 : i32
      %add3A_740 = arith.addi %add3A_712, %add3A_739 : i32
      %lt3A_741 = arith.constant 100 : i32
      %lt3A_742 = arith.cmpi slt, %add3A_740, %lt3A_741 : i32
      %convert_element_type3A_743 = arith.extui %lt3A_742 : i1 to i32
      %cond3A_744 = arith.constant 0 : i32
      %cond3A_745 = arith.cmpi ne, %convert_element_type3A_743, %cond3A_744 : i32
      scf.if %cond3A_745 {
        %add3A_991 = arith.constant 12 : i32
        %add3A_992 = arith.addi %add3A_712, %add3A_991 : i32
        %mul3A_993 = arith.constant 64 : i32
        %mul3A_994 = arith.muli %mul3A_993, %add3A_992 : i32
        %dma_start3A_995 = tpu.memref_slice %arg5[%mul3A_994] : memref<6400xi32, #tpu.memory_space<vmem>> -> memref<64xi32, #tpu.memory_space<vmem>>
        %dma_start3A_996 = arith.constant 0 : i32
        %dma_start3A_997 = arith.constant 0 : i32
        %dma_start3A_998 = tpu.memref_slice %arg3[%dma_start3A_996, %dma_start3A_997] : memref<100000x128xf32, #tpu.memory_space<hbm>> -> memref<100000x128xf32, #tpu.memory_space<hbm>>
        tpu.enqueue_indirect_dma source(%dma_start3A_998 : memref<100000x128xf32, #tpu.memory_space<hbm>>) target(%arg10 : memref<64x128xf32, #tpu.memory_space<vmem>>) offsets(%dma_start3A_995 : memref<64xi32, #tpu.memory_space<vmem>>) semaphore(%arg24 : memref<!tpu.dma_semaphore, #tpu.memory_space<semaphore_mem>>)
      } else {
      }
      %add3A_746 = arith.constant 7 : i32
      %add3A_747 = arith.addi %mul3A_504, %add3A_746 : i32
      %mul3A_748 = arith.constant 64 : i32
      %mul3A_749 = arith.muli %mul3A_748, %add3A_747 : i32
      %dma_wait3A_750 = tpu.memref_slice %arg5[%mul3A_749] : memref<6400xi32, #tpu.memory_space<vmem>> -> memref<64xi32, #tpu.memory_space<vmem>>
      %dma_wait3A_751 = arith.constant 0 : i32
      %dma_wait3A_752 = arith.constant 0 : i32
      %dma_wait3A_753 = tpu.memref_slice %arg3[%dma_wait3A_751, %dma_wait3A_752] : memref<100000x128xf32, #tpu.memory_space<hbm>> -> memref<100000x128xf32, #tpu.memory_space<hbm>>
      tpu.wait_indirect_dma semaphore(%arg27 : memref<!tpu.dma_semaphore, #tpu.memory_space<semaphore_mem>>) src(%dma_wait3A_753 : memref<100000x128xf32, #tpu.memory_space<hbm>>) dst(%arg13 : memref<64x128xf32, #tpu.memory_space<vmem>>)
      %dma_start3A_754 = arith.constant 0 : i32
      %dma_start3A_755 = arith.constant 0 : i32
      %dma_start3A_756 = tpu.memref_slice %arg4[%add3A, %add3A_747, %dma_start3A_754, %dma_start3A_755] : memref<32x100x64x128xf32, #tpu.memory_space<hbm>> -> memref<1x1x64x128xf32, #tpu.memory_space<hbm>>
      %dma_start3A_757 = tpu.memref_squeeze %dma_start3A_756 : memref<1x1x64x128xf32, #tpu.memory_space<hbm>> -> memref<64x128xf32, #tpu.memory_space<hbm>>
      %dma_start3A_758 = arith.constant 0 : i32
      %dma_start3A_759 = arith.constant 0 : i32
      %dma_start3A_760 = tpu.memref_slice %arg4[%add3A, %add3A_747, %dma_start3A_758, %dma_start3A_759] : memref<32x100x64x128xf32, #tpu.memory_space<hbm>> -> memref<1x1x64x128xf32, #tpu.memory_space<hbm>>
      %dma_start3A_761 = tpu.memref_squeeze %dma_start3A_760 : memref<1x1x64x128xf32, #tpu.memory_space<hbm>> -> memref<64x128xf32, #tpu.memory_space<hbm>>
      tpu.enqueue_dma source(%arg13 : memref<64x128xf32, #tpu.memory_space<vmem>>) target(%dma_start3A_761 : memref<64x128xf32, #tpu.memory_space<hbm>>) target_semaphore(%arg41 : memref<!tpu.dma_semaphore, #tpu.memory_space<semaphore_mem>>)
      %add3A_762 = arith.constant 12 : i32
      %add3A_763 = arith.addi %add3A_747, %add3A_762 : i32
      %sub3A_764 = arith.constant 14 : i32
      %sub3A_765 = arith.subi %add3A_763, %sub3A_764 : i32
      %dma_wait3A_766 = arith.constant 0 : i32
      %dma_wait3A_767 = arith.constant 0 : i32
      %dma_wait3A_768 = tpu.memref_slice %arg4[%add3A, %sub3A_765, %dma_wait3A_766, %dma_wait3A_767] : memref<32x100x64x128xf32, #tpu.memory_space<hbm>> -> memref<1x1x64x128xf32, #tpu.memory_space<hbm>>
      %dma_wait3A_769 = tpu.memref_squeeze %dma_wait3A_768 : memref<1x1x64x128xf32, #tpu.memory_space<hbm>> -> memref<64x128xf32, #tpu.memory_space<hbm>>
      %dma_wait3A_770 = arith.constant 0 : i32
      %dma_wait3A_771 = arith.constant 0 : i32
      %dma_wait3A_772 = tpu.memref_slice %arg4[%add3A, %sub3A_765, %dma_wait3A_770, %dma_wait3A_771] : memref<32x100x64x128xf32, #tpu.memory_space<hbm>> -> memref<1x1x64x128xf32, #tpu.memory_space<hbm>>
      %dma_wait3A_773 = tpu.memref_squeeze %dma_wait3A_772 : memref<1x1x64x128xf32, #tpu.memory_space<hbm>> -> memref<64x128xf32, #tpu.memory_space<hbm>>
      tpu.wait_dma2 semaphore(%arg39 : memref<!tpu.dma_semaphore, #tpu.memory_space<semaphore_mem>>) src(%arg11 : memref<64x128xf32, #tpu.memory_space<vmem>>) dst(%dma_wait3A_773 : memref<64x128xf32, #tpu.memory_space<hbm>>)
      %add3A_774 = arith.constant 12 : i32
      %add3A_775 = arith.addi %add3A_747, %add3A_774 : i32
      %lt3A_776 = arith.constant 100 : i32
      %lt3A_777 = arith.cmpi slt, %add3A_775, %lt3A_776 : i32
      %convert_element_type3A_778 = arith.extui %lt3A_777 : i1 to i32
      %cond3A_779 = arith.constant 0 : i32
      %cond3A_780 = arith.cmpi ne, %convert_element_type3A_778, %cond3A_779 : i32
      scf.if %cond3A_780 {
        %add3A_991 = arith.constant 12 : i32
        %add3A_992 = arith.addi %add3A_747, %add3A_991 : i32
        %mul3A_993 = arith.constant 64 : i32
        %mul3A_994 = arith.muli %mul3A_993, %add3A_992 : i32
        %dma_start3A_995 = tpu.memref_slice %arg5[%mul3A_994] : memref<6400xi32, #tpu.memory_space<vmem>> -> memref<64xi32, #tpu.memory_space<vmem>>
        %dma_start3A_996 = arith.constant 0 : i32
        %dma_start3A_997 = arith.constant 0 : i32
        %dma_start3A_998 = tpu.memref_slice %arg3[%dma_start3A_996, %dma_start3A_997] : memref<100000x128xf32, #tpu.memory_space<hbm>> -> memref<100000x128xf32, #tpu.memory_space<hbm>>
        tpu.enqueue_indirect_dma source(%dma_start3A_998 : memref<100000x128xf32, #tpu.memory_space<hbm>>) target(%arg11 : memref<64x128xf32, #tpu.memory_space<vmem>>) offsets(%dma_start3A_995 : memref<64xi32, #tpu.memory_space<vmem>>) semaphore(%arg25 : memref<!tpu.dma_semaphore, #tpu.memory_space<semaphore_mem>>)
      } else {
      }
      %add3A_781 = arith.constant 8 : i32
      %add3A_782 = arith.addi %mul3A_504, %add3A_781 : i32
      %mul3A_783 = arith.constant 64 : i32
      %mul3A_784 = arith.muli %mul3A_783, %add3A_782 : i32
      %dma_wait3A_785 = tpu.memref_slice %arg5[%mul3A_784] : memref<6400xi32, #tpu.memory_space<vmem>> -> memref<64xi32, #tpu.memory_space<vmem>>
      %dma_wait3A_786 = arith.constant 0 : i32
      %dma_wait3A_787 = arith.constant 0 : i32
      %dma_wait3A_788 = tpu.memref_slice %arg3[%dma_wait3A_786, %dma_wait3A_787] : memref<100000x128xf32, #tpu.memory_space<hbm>> -> memref<100000x128xf32, #tpu.memory_space<hbm>>
      tpu.wait_indirect_dma semaphore(%arg28 : memref<!tpu.dma_semaphore, #tpu.memory_space<semaphore_mem>>) src(%dma_wait3A_788 : memref<100000x128xf32, #tpu.memory_space<hbm>>) dst(%arg14 : memref<64x128xf32, #tpu.memory_space<vmem>>)
      %dma_start3A_789 = arith.constant 0 : i32
      %dma_start3A_790 = arith.constant 0 : i32
      %dma_start3A_791 = tpu.memref_slice %arg4[%add3A, %add3A_782, %dma_start3A_789, %dma_start3A_790] : memref<32x100x64x128xf32, #tpu.memory_space<hbm>> -> memref<1x1x64x128xf32, #tpu.memory_space<hbm>>
      %dma_start3A_792 = tpu.memref_squeeze %dma_start3A_791 : memref<1x1x64x128xf32, #tpu.memory_space<hbm>> -> memref<64x128xf32, #tpu.memory_space<hbm>>
      %dma_start3A_793 = arith.constant 0 : i32
      %dma_start3A_794 = arith.constant 0 : i32
      %dma_start3A_795 = tpu.memref_slice %arg4[%add3A, %add3A_782, %dma_start3A_793, %dma_start3A_794] : memref<32x100x64x128xf32, #tpu.memory_space<hbm>> -> memref<1x1x64x128xf32, #tpu.memory_space<hbm>>
      %dma_start3A_796 = tpu.memref_squeeze %dma_start3A_795 : memref<1x1x64x128xf32, #tpu.memory_space<hbm>> -> memref<64x128xf32, #tpu.memory_space<hbm>>
      tpu.enqueue_dma source(%arg14 : memref<64x128xf32, #tpu.memory_space<vmem>>) target(%dma_start3A_796 : memref<64x128xf32, #tpu.memory_space<hbm>>) target_semaphore(%arg42 : memref<!tpu.dma_semaphore, #tpu.memory_space<semaphore_mem>>)
      %add3A_797 = arith.constant 12 : i32
      %add3A_798 = arith.addi %add3A_782, %add3A_797 : i32
      %sub3A_799 = arith.constant 14 : i32
      %sub3A_800 = arith.subi %add3A_798, %sub3A_799 : i32
      %dma_wait3A_801 = arith.constant 0 : i32
      %dma_wait3A_802 = arith.constant 0 : i32
      %dma_wait3A_803 = tpu.memref_slice %arg4[%add3A, %sub3A_800, %dma_wait3A_801, %dma_wait3A_802] : memref<32x100x64x128xf32, #tpu.memory_space<hbm>> -> memref<1x1x64x128xf32, #tpu.memory_space<hbm>>
      %dma_wait3A_804 = tpu.memref_squeeze %dma_wait3A_803 : memref<1x1x64x128xf32, #tpu.memory_space<hbm>> -> memref<64x128xf32, #tpu.memory_space<hbm>>
      %dma_wait3A_805 = arith.constant 0 : i32
      %dma_wait3A_806 = arith.constant 0 : i32
      %dma_wait3A_807 = tpu.memref_slice %arg4[%add3A, %sub3A_800, %dma_wait3A_805, %dma_wait3A_806] : memref<32x100x64x128xf32, #tpu.memory_space<hbm>> -> memref<1x1x64x128xf32, #tpu.memory_space<hbm>>
      %dma_wait3A_808 = tpu.memref_squeeze %dma_wait3A_807 : memref<1x1x64x128xf32, #tpu.memory_space<hbm>> -> memref<64x128xf32, #tpu.memory_space<hbm>>
      tpu.wait_dma2 semaphore(%arg40 : memref<!tpu.dma_semaphore, #tpu.memory_space<semaphore_mem>>) src(%arg12 : memref<64x128xf32, #tpu.memory_space<vmem>>) dst(%dma_wait3A_808 : memref<64x128xf32, #tpu.memory_space<hbm>>)
      %add3A_809 = arith.constant 12 : i32
      %add3A_810 = arith.addi %add3A_782, %add3A_809 : i32
      %lt3A_811 = arith.constant 100 : i32
      %lt3A_812 = arith.cmpi slt, %add3A_810, %lt3A_811 : i32
      %convert_element_type3A_813 = arith.extui %lt3A_812 : i1 to i32
      %cond3A_814 = arith.constant 0 : i32
      %cond3A_815 = arith.cmpi ne, %convert_element_type3A_813, %cond3A_814 : i32
      scf.if %cond3A_815 {
        %add3A_991 = arith.constant 12 : i32
        %add3A_992 = arith.addi %add3A_782, %add3A_991 : i32
        %mul3A_993 = arith.constant 64 : i32
        %mul3A_994 = arith.muli %mul3A_993, %add3A_992 : i32
        %dma_start3A_995 = tpu.memref_slice %arg5[%mul3A_994] : memref<6400xi32, #tpu.memory_space<vmem>> -> memref<64xi32, #tpu.memory_space<vmem>>
        %dma_start3A_996 = arith.constant 0 : i32
        %dma_start3A_997 = arith.constant 0 : i32
        %dma_start3A_998 = tpu.memref_slice %arg3[%dma_start3A_996, %dma_start3A_997] : memref<100000x128xf32, #tpu.memory_space<hbm>> -> memref<100000x128xf32, #tpu.memory_space<hbm>>
        tpu.enqueue_indirect_dma source(%dma_start3A_998 : memref<100000x128xf32, #tpu.memory_space<hbm>>) target(%arg12 : memref<64x128xf32, #tpu.memory_space<vmem>>) offsets(%dma_start3A_995 : memref<64xi32, #tpu.memory_space<vmem>>) semaphore(%arg26 : memref<!tpu.dma_semaphore, #tpu.memory_space<semaphore_mem>>)
      } else {
      }
      %add3A_816 = arith.constant 9 : i32
      %add3A_817 = arith.addi %mul3A_504, %add3A_816 : i32
      %mul3A_818 = arith.constant 64 : i32
      %mul3A_819 = arith.muli %mul3A_818, %add3A_817 : i32
      %dma_wait3A_820 = tpu.memref_slice %arg5[%mul3A_819] : memref<6400xi32, #tpu.memory_space<vmem>> -> memref<64xi32, #tpu.memory_space<vmem>>
      %dma_wait3A_821 = arith.constant 0 : i32
      %dma_wait3A_822 = arith.constant 0 : i32
      %dma_wait3A_823 = tpu.memref_slice %arg3[%dma_wait3A_821, %dma_wait3A_822] : memref<100000x128xf32, #tpu.memory_space<hbm>> -> memref<100000x128xf32, #tpu.memory_space<hbm>>
      tpu.wait_indirect_dma semaphore(%arg29 : memref<!tpu.dma_semaphore, #tpu.memory_space<semaphore_mem>>) src(%dma_wait3A_823 : memref<100000x128xf32, #tpu.memory_space<hbm>>) dst(%arg15 : memref<64x128xf32, #tpu.memory_space<vmem>>)
      %dma_start3A_824 = arith.constant 0 : i32
      %dma_start3A_825 = arith.constant 0 : i32
      %dma_start3A_826 = tpu.memref_slice %arg4[%add3A, %add3A_817, %dma_start3A_824, %dma_start3A_825] : memref<32x100x64x128xf32, #tpu.memory_space<hbm>> -> memref<1x1x64x128xf32, #tpu.memory_space<hbm>>
      %dma_start3A_827 = tpu.memref_squeeze %dma_start3A_826 : memref<1x1x64x128xf32, #tpu.memory_space<hbm>> -> memref<64x128xf32, #tpu.memory_space<hbm>>
      %dma_start3A_828 = arith.constant 0 : i32
      %dma_start3A_829 = arith.constant 0 : i32
      %dma_start3A_830 = tpu.memref_slice %arg4[%add3A, %add3A_817, %dma_start3A_828, %dma_start3A_829] : memref<32x100x64x128xf32, #tpu.memory_space<hbm>> -> memref<1x1x64x128xf32, #tpu.memory_space<hbm>>
      %dma_start3A_831 = tpu.memref_squeeze %dma_start3A_830 : memref<1x1x64x128xf32, #tpu.memory_space<hbm>> -> memref<64x128xf32, #tpu.memory_space<hbm>>
      tpu.enqueue_dma source(%arg15 : memref<64x128xf32, #tpu.memory_space<vmem>>) target(%dma_start3A_831 : memref<64x128xf32, #tpu.memory_space<hbm>>) target_semaphore(%arg43 : memref<!tpu.dma_semaphore, #tpu.memory_space<semaphore_mem>>)
      %add3A_832 = arith.constant 12 : i32
      %add3A_833 = arith.addi %add3A_817, %add3A_832 : i32
      %sub3A_834 = arith.constant 14 : i32
      %sub3A_835 = arith.subi %add3A_833, %sub3A_834 : i32
      %dma_wait3A_836 = arith.constant 0 : i32
      %dma_wait3A_837 = arith.constant 0 : i32
      %dma_wait3A_838 = tpu.memref_slice %arg4[%add3A, %sub3A_835, %dma_wait3A_836, %dma_wait3A_837] : memref<32x100x64x128xf32, #tpu.memory_space<hbm>> -> memref<1x1x64x128xf32, #tpu.memory_space<hbm>>
      %dma_wait3A_839 = tpu.memref_squeeze %dma_wait3A_838 : memref<1x1x64x128xf32, #tpu.memory_space<hbm>> -> memref<64x128xf32, #tpu.memory_space<hbm>>
      %dma_wait3A_840 = arith.constant 0 : i32
      %dma_wait3A_841 = arith.constant 0 : i32
      %dma_wait3A_842 = tpu.memref_slice %arg4[%add3A, %sub3A_835, %dma_wait3A_840, %dma_wait3A_841] : memref<32x100x64x128xf32, #tpu.memory_space<hbm>> -> memref<1x1x64x128xf32, #tpu.memory_space<hbm>>
      %dma_wait3A_843 = tpu.memref_squeeze %dma_wait3A_842 : memref<1x1x64x128xf32, #tpu.memory_space<hbm>> -> memref<64x128xf32, #tpu.memory_space<hbm>>
      tpu.wait_dma2 semaphore(%arg41 : memref<!tpu.dma_semaphore, #tpu.memory_space<semaphore_mem>>) src(%arg13 : memref<64x128xf32, #tpu.memory_space<vmem>>) dst(%dma_wait3A_843 : memref<64x128xf32, #tpu.memory_space<hbm>>)
      %add3A_844 = arith.constant 12 : i32
      %add3A_845 = arith.addi %add3A_817, %add3A_844 : i32
      %lt3A_846 = arith.constant 100 : i32
      %lt3A_847 = arith.cmpi slt, %add3A_845, %lt3A_846 : i32
      %convert_element_type3A_848 = arith.extui %lt3A_847 : i1 to i32
      %cond3A_849 = arith.constant 0 : i32
      %cond3A_850 = arith.cmpi ne, %convert_element_type3A_848, %cond3A_849 : i32
      scf.if %cond3A_850 {
        %add3A_991 = arith.constant 12 : i32
        %add3A_992 = arith.addi %add3A_817, %add3A_991 : i32
        %mul3A_993 = arith.constant 64 : i32
        %mul3A_994 = arith.muli %mul3A_993, %add3A_992 : i32
        %dma_start3A_995 = tpu.memref_slice %arg5[%mul3A_994] : memref<6400xi32, #tpu.memory_space<vmem>> -> memref<64xi32, #tpu.memory_space<vmem>>
        %dma_start3A_996 = arith.constant 0 : i32
        %dma_start3A_997 = arith.constant 0 : i32
        %dma_start3A_998 = tpu.memref_slice %arg3[%dma_start3A_996, %dma_start3A_997] : memref<100000x128xf32, #tpu.memory_space<hbm>> -> memref<100000x128xf32, #tpu.memory_space<hbm>>
        tpu.enqueue_indirect_dma source(%dma_start3A_998 : memref<100000x128xf32, #tpu.memory_space<hbm>>) target(%arg13 : memref<64x128xf32, #tpu.memory_space<vmem>>) offsets(%dma_start3A_995 : memref<64xi32, #tpu.memory_space<vmem>>) semaphore(%arg27 : memref<!tpu.dma_semaphore, #tpu.memory_space<semaphore_mem>>)
      } else {
      }
      %add3A_851 = arith.constant 10 : i32
      %add3A_852 = arith.addi %mul3A_504, %add3A_851 : i32
      %mul3A_853 = arith.constant 64 : i32
      %mul3A_854 = arith.muli %mul3A_853, %add3A_852 : i32
      %dma_wait3A_855 = tpu.memref_slice %arg5[%mul3A_854] : memref<6400xi32, #tpu.memory_space<vmem>> -> memref<64xi32, #tpu.memory_space<vmem>>
      %dma_wait3A_856 = arith.constant 0 : i32
      %dma_wait3A_857 = arith.constant 0 : i32
      %dma_wait3A_858 = tpu.memref_slice %arg3[%dma_wait3A_856, %dma_wait3A_857] : memref<100000x128xf32, #tpu.memory_space<hbm>> -> memref<100000x128xf32, #tpu.memory_space<hbm>>
      tpu.wait_indirect_dma semaphore(%arg30 : memref<!tpu.dma_semaphore, #tpu.memory_space<semaphore_mem>>) src(%dma_wait3A_858 : memref<100000x128xf32, #tpu.memory_space<hbm>>) dst(%arg16 : memref<64x128xf32, #tpu.memory_space<vmem>>)
      %dma_start3A_859 = arith.constant 0 : i32
      %dma_start3A_860 = arith.constant 0 : i32
      %dma_start3A_861 = tpu.memref_slice %arg4[%add3A, %add3A_852, %dma_start3A_859, %dma_start3A_860] : memref<32x100x64x128xf32, #tpu.memory_space<hbm>> -> memref<1x1x64x128xf32, #tpu.memory_space<hbm>>
      %dma_start3A_862 = tpu.memref_squeeze %dma_start3A_861 : memref<1x1x64x128xf32, #tpu.memory_space<hbm>> -> memref<64x128xf32, #tpu.memory_space<hbm>>
      %dma_start3A_863 = arith.constant 0 : i32
      %dma_start3A_864 = arith.constant 0 : i32
      %dma_start3A_865 = tpu.memref_slice %arg4[%add3A, %add3A_852, %dma_start3A_863, %dma_start3A_864] : memref<32x100x64x128xf32, #tpu.memory_space<hbm>> -> memref<1x1x64x128xf32, #tpu.memory_space<hbm>>
      %dma_start3A_866 = tpu.memref_squeeze %dma_start3A_865 : memref<1x1x64x128xf32, #tpu.memory_space<hbm>> -> memref<64x128xf32, #tpu.memory_space<hbm>>
      tpu.enqueue_dma source(%arg16 : memref<64x128xf32, #tpu.memory_space<vmem>>) target(%dma_start3A_866 : memref<64x128xf32, #tpu.memory_space<hbm>>) target_semaphore(%arg44 : memref<!tpu.dma_semaphore, #tpu.memory_space<semaphore_mem>>)
      %add3A_867 = arith.constant 12 : i32
      %add3A_868 = arith.addi %add3A_852, %add3A_867 : i32
      %sub3A_869 = arith.constant 14 : i32
      %sub3A_870 = arith.subi %add3A_868, %sub3A_869 : i32
      %dma_wait3A_871 = arith.constant 0 : i32
      %dma_wait3A_872 = arith.constant 0 : i32
      %dma_wait3A_873 = tpu.memref_slice %arg4[%add3A, %sub3A_870, %dma_wait3A_871, %dma_wait3A_872] : memref<32x100x64x128xf32, #tpu.memory_space<hbm>> -> memref<1x1x64x128xf32, #tpu.memory_space<hbm>>
      %dma_wait3A_874 = tpu.memref_squeeze %dma_wait3A_873 : memref<1x1x64x128xf32, #tpu.memory_space<hbm>> -> memref<64x128xf32, #tpu.memory_space<hbm>>
      %dma_wait3A_875 = arith.constant 0 : i32
      %dma_wait3A_876 = arith.constant 0 : i32
      %dma_wait3A_877 = tpu.memref_slice %arg4[%add3A, %sub3A_870, %dma_wait3A_875, %dma_wait3A_876] : memref<32x100x64x128xf32, #tpu.memory_space<hbm>> -> memref<1x1x64x128xf32, #tpu.memory_space<hbm>>
      %dma_wait3A_878 = tpu.memref_squeeze %dma_wait3A_877 : memref<1x1x64x128xf32, #tpu.memory_space<hbm>> -> memref<64x128xf32, #tpu.memory_space<hbm>>
      tpu.wait_dma2 semaphore(%arg42 : memref<!tpu.dma_semaphore, #tpu.memory_space<semaphore_mem>>) src(%arg14 : memref<64x128xf32, #tpu.memory_space<vmem>>) dst(%dma_wait3A_878 : memref<64x128xf32, #tpu.memory_space<hbm>>)
      %add3A_879 = arith.constant 12 : i32
      %add3A_880 = arith.addi %add3A_852, %add3A_879 : i32
      %lt3A_881 = arith.constant 100 : i32
      %lt3A_882 = arith.cmpi slt, %add3A_880, %lt3A_881 : i32
      %convert_element_type3A_883 = arith.extui %lt3A_882 : i1 to i32
      %cond3A_884 = arith.constant 0 : i32
      %cond3A_885 = arith.cmpi ne, %convert_element_type3A_883, %cond3A_884 : i32
      scf.if %cond3A_885 {
        %add3A_991 = arith.constant 12 : i32
        %add3A_992 = arith.addi %add3A_852, %add3A_991 : i32
        %mul3A_993 = arith.constant 64 : i32
        %mul3A_994 = arith.muli %mul3A_993, %add3A_992 : i32
        %dma_start3A_995 = tpu.memref_slice %arg5[%mul3A_994] : memref<6400xi32, #tpu.memory_space<vmem>> -> memref<64xi32, #tpu.memory_space<vmem>>
        %dma_start3A_996 = arith.constant 0 : i32
        %dma_start3A_997 = arith.constant 0 : i32
        %dma_start3A_998 = tpu.memref_slice %arg3[%dma_start3A_996, %dma_start3A_997] : memref<100000x128xf32, #tpu.memory_space<hbm>> -> memref<100000x128xf32, #tpu.memory_space<hbm>>
        tpu.enqueue_indirect_dma source(%dma_start3A_998 : memref<100000x128xf32, #tpu.memory_space<hbm>>) target(%arg14 : memref<64x128xf32, #tpu.memory_space<vmem>>) offsets(%dma_start3A_995 : memref<64xi32, #tpu.memory_space<vmem>>) semaphore(%arg28 : memref<!tpu.dma_semaphore, #tpu.memory_space<semaphore_mem>>)
      } else {
      }
      %add3A_886 = arith.constant 11 : i32
      %add3A_887 = arith.addi %mul3A_504, %add3A_886 : i32
      %mul3A_888 = arith.constant 64 : i32
      %mul3A_889 = arith.muli %mul3A_888, %add3A_887 : i32
      %dma_wait3A_890 = tpu.memref_slice %arg5[%mul3A_889] : memref<6400xi32, #tpu.memory_space<vmem>> -> memref<64xi32, #tpu.memory_space<vmem>>
      %dma_wait3A_891 = arith.constant 0 : i32
      %dma_wait3A_892 = arith.constant 0 : i32
      %dma_wait3A_893 = tpu.memref_slice %arg3[%dma_wait3A_891, %dma_wait3A_892] : memref<100000x128xf32, #tpu.memory_space<hbm>> -> memref<100000x128xf32, #tpu.memory_space<hbm>>
      tpu.wait_indirect_dma semaphore(%arg31 : memref<!tpu.dma_semaphore, #tpu.memory_space<semaphore_mem>>) src(%dma_wait3A_893 : memref<100000x128xf32, #tpu.memory_space<hbm>>) dst(%arg17 : memref<64x128xf32, #tpu.memory_space<vmem>>)
      %dma_start3A_894 = arith.constant 0 : i32
      %dma_start3A_895 = arith.constant 0 : i32
      %dma_start3A_896 = tpu.memref_slice %arg4[%add3A, %add3A_887, %dma_start3A_894, %dma_start3A_895] : memref<32x100x64x128xf32, #tpu.memory_space<hbm>> -> memref<1x1x64x128xf32, #tpu.memory_space<hbm>>
      %dma_start3A_897 = tpu.memref_squeeze %dma_start3A_896 : memref<1x1x64x128xf32, #tpu.memory_space<hbm>> -> memref<64x128xf32, #tpu.memory_space<hbm>>
      %dma_start3A_898 = arith.constant 0 : i32
      %dma_start3A_899 = arith.constant 0 : i32
      %dma_start3A_900 = tpu.memref_slice %arg4[%add3A, %add3A_887, %dma_start3A_898, %dma_start3A_899] : memref<32x100x64x128xf32, #tpu.memory_space<hbm>> -> memref<1x1x64x128xf32, #tpu.memory_space<hbm>>
      %dma_start3A_901 = tpu.memref_squeeze %dma_start3A_900 : memref<1x1x64x128xf32, #tpu.memory_space<hbm>> -> memref<64x128xf32, #tpu.memory_space<hbm>>
      tpu.enqueue_dma source(%arg17 : memref<64x128xf32, #tpu.memory_space<vmem>>) target(%dma_start3A_901 : memref<64x128xf32, #tpu.memory_space<hbm>>) target_semaphore(%arg45 : memref<!tpu.dma_semaphore, #tpu.memory_space<semaphore_mem>>)
      %add3A_902 = arith.constant 12 : i32
      %add3A_903 = arith.addi %add3A_887, %add3A_902 : i32
      %sub3A_904 = arith.constant 14 : i32
      %sub3A_905 = arith.subi %add3A_903, %sub3A_904 : i32
      %dma_wait3A_906 = arith.constant 0 : i32
      %dma_wait3A_907 = arith.constant 0 : i32
      %dma_wait3A_908 = tpu.memref_slice %arg4[%add3A, %sub3A_905, %dma_wait3A_906, %dma_wait3A_907] : memref<32x100x64x128xf32, #tpu.memory_space<hbm>> -> memref<1x1x64x128xf32, #tpu.memory_space<hbm>>
      %dma_wait3A_909 = tpu.memref_squeeze %dma_wait3A_908 : memref<1x1x64x128xf32, #tpu.memory_space<hbm>> -> memref<64x128xf32, #tpu.memory_space<hbm>>
      %dma_wait3A_910 = arith.constant 0 : i32
      %dma_wait3A_911 = arith.constant 0 : i32
      %dma_wait3A_912 = tpu.memref_slice %arg4[%add3A, %sub3A_905, %dma_wait3A_910, %dma_wait3A_911] : memref<32x100x64x128xf32, #tpu.memory_space<hbm>> -> memref<1x1x64x128xf32, #tpu.memory_space<hbm>>
      %dma_wait3A_913 = tpu.memref_squeeze %dma_wait3A_912 : memref<1x1x64x128xf32, #tpu.memory_space<hbm>> -> memref<64x128xf32, #tpu.memory_space<hbm>>
      tpu.wait_dma2 semaphore(%arg43 : memref<!tpu.dma_semaphore, #tpu.memory_space<semaphore_mem>>) src(%arg15 : memref<64x128xf32, #tpu.memory_space<vmem>>) dst(%dma_wait3A_913 : memref<64x128xf32, #tpu.memory_space<hbm>>)
      %add3A_914 = arith.constant 12 : i32
      %add3A_915 = arith.addi %add3A_887, %add3A_914 : i32
      %lt3A_916 = arith.constant 100 : i32
      %lt3A_917 = arith.cmpi slt, %add3A_915, %lt3A_916 : i32
      %convert_element_type3A_918 = arith.extui %lt3A_917 : i1 to i32
      %cond3A_919 = arith.constant 0 : i32
      %cond3A_920 = arith.cmpi ne, %convert_element_type3A_918, %cond3A_919 : i32
      scf.if %cond3A_920 {
        %add3A_991 = arith.constant 12 : i32
        %add3A_992 = arith.addi %add3A_887, %add3A_991 : i32
        %mul3A_993 = arith.constant 64 : i32
        %mul3A_994 = arith.muli %mul3A_993, %add3A_992 : i32
        %dma_start3A_995 = tpu.memref_slice %arg5[%mul3A_994] : memref<6400xi32, #tpu.memory_space<vmem>> -> memref<64xi32, #tpu.memory_space<vmem>>
        %dma_start3A_996 = arith.constant 0 : i32
        %dma_start3A_997 = arith.constant 0 : i32
        %dma_start3A_998 = tpu.memref_slice %arg3[%dma_start3A_996, %dma_start3A_997] : memref<100000x128xf32, #tpu.memory_space<hbm>> -> memref<100000x128xf32, #tpu.memory_space<hbm>>
        tpu.enqueue_indirect_dma source(%dma_start3A_998 : memref<100000x128xf32, #tpu.memory_space<hbm>>) target(%arg15 : memref<64x128xf32, #tpu.memory_space<vmem>>) offsets(%dma_start3A_995 : memref<64xi32, #tpu.memory_space<vmem>>) semaphore(%arg29 : memref<!tpu.dma_semaphore, #tpu.memory_space<semaphore_mem>>)
      } else {
      }
      %add3A_921 = arith.constant 12 : i32
      %add3A_922 = arith.addi %mul3A_504, %add3A_921 : i32
      %mul3A_923 = arith.constant 64 : i32
      %mul3A_924 = arith.muli %mul3A_923, %add3A_922 : i32
      %dma_wait3A_925 = tpu.memref_slice %arg5[%mul3A_924] : memref<6400xi32, #tpu.memory_space<vmem>> -> memref<64xi32, #tpu.memory_space<vmem>>
      %dma_wait3A_926 = arith.constant 0 : i32
      %dma_wait3A_927 = arith.constant 0 : i32
      %dma_wait3A_928 = tpu.memref_slice %arg3[%dma_wait3A_926, %dma_wait3A_927] : memref<100000x128xf32, #tpu.memory_space<hbm>> -> memref<100000x128xf32, #tpu.memory_space<hbm>>
      tpu.wait_indirect_dma semaphore(%arg32 : memref<!tpu.dma_semaphore, #tpu.memory_space<semaphore_mem>>) src(%dma_wait3A_928 : memref<100000x128xf32, #tpu.memory_space<hbm>>) dst(%arg18 : memref<64x128xf32, #tpu.memory_space<vmem>>)
      %dma_start3A_929 = arith.constant 0 : i32
      %dma_start3A_930 = arith.constant 0 : i32
      %dma_start3A_931 = tpu.memref_slice %arg4[%add3A, %add3A_922, %dma_start3A_929, %dma_start3A_930] : memref<32x100x64x128xf32, #tpu.memory_space<hbm>> -> memref<1x1x64x128xf32, #tpu.memory_space<hbm>>
      %dma_start3A_932 = tpu.memref_squeeze %dma_start3A_931 : memref<1x1x64x128xf32, #tpu.memory_space<hbm>> -> memref<64x128xf32, #tpu.memory_space<hbm>>
      %dma_start3A_933 = arith.constant 0 : i32
      %dma_start3A_934 = arith.constant 0 : i32
      %dma_start3A_935 = tpu.memref_slice %arg4[%add3A, %add3A_922, %dma_start3A_933, %dma_start3A_934] : memref<32x100x64x128xf32, #tpu.memory_space<hbm>> -> memref<1x1x64x128xf32, #tpu.memory_space<hbm>>
      %dma_start3A_936 = tpu.memref_squeeze %dma_start3A_935 : memref<1x1x64x128xf32, #tpu.memory_space<hbm>> -> memref<64x128xf32, #tpu.memory_space<hbm>>
      tpu.enqueue_dma source(%arg18 : memref<64x128xf32, #tpu.memory_space<vmem>>) target(%dma_start3A_936 : memref<64x128xf32, #tpu.memory_space<hbm>>) target_semaphore(%arg46 : memref<!tpu.dma_semaphore, #tpu.memory_space<semaphore_mem>>)
      %add3A_937 = arith.constant 12 : i32
      %add3A_938 = arith.addi %add3A_922, %add3A_937 : i32
      %sub3A_939 = arith.constant 14 : i32
      %sub3A_940 = arith.subi %add3A_938, %sub3A_939 : i32
      %dma_wait3A_941 = arith.constant 0 : i32
      %dma_wait3A_942 = arith.constant 0 : i32
      %dma_wait3A_943 = tpu.memref_slice %arg4[%add3A, %sub3A_940, %dma_wait3A_941, %dma_wait3A_942] : memref<32x100x64x128xf32, #tpu.memory_space<hbm>> -> memref<1x1x64x128xf32, #tpu.memory_space<hbm>>
      %dma_wait3A_944 = tpu.memref_squeeze %dma_wait3A_943 : memref<1x1x64x128xf32, #tpu.memory_space<hbm>> -> memref<64x128xf32, #tpu.memory_space<hbm>>
      %dma_wait3A_945 = arith.constant 0 : i32
      %dma_wait3A_946 = arith.constant 0 : i32
      %dma_wait3A_947 = tpu.memref_slice %arg4[%add3A, %sub3A_940, %dma_wait3A_945, %dma_wait3A_946] : memref<32x100x64x128xf32, #tpu.memory_space<hbm>> -> memref<1x1x64x128xf32, #tpu.memory_space<hbm>>
      %dma_wait3A_948 = tpu.memref_squeeze %dma_wait3A_947 : memref<1x1x64x128xf32, #tpu.memory_space<hbm>> -> memref<64x128xf32, #tpu.memory_space<hbm>>
      tpu.wait_dma2 semaphore(%arg44 : memref<!tpu.dma_semaphore, #tpu.memory_space<semaphore_mem>>) src(%arg16 : memref<64x128xf32, #tpu.memory_space<vmem>>) dst(%dma_wait3A_948 : memref<64x128xf32, #tpu.memory_space<hbm>>)
      %add3A_949 = arith.constant 12 : i32
      %add3A_950 = arith.addi %add3A_922, %add3A_949 : i32
      %lt3A_951 = arith.constant 100 : i32
      %lt3A_952 = arith.cmpi slt, %add3A_950, %lt3A_951 : i32
      %convert_element_type3A_953 = arith.extui %lt3A_952 : i1 to i32
      %cond3A_954 = arith.constant 0 : i32
      %cond3A_955 = arith.cmpi ne, %convert_element_type3A_953, %cond3A_954 : i32
      scf.if %cond3A_955 {
        %add3A_991 = arith.constant 12 : i32
        %add3A_992 = arith.addi %add3A_922, %add3A_991 : i32
        %mul3A_993 = arith.constant 64 : i32
        %mul3A_994 = arith.muli %mul3A_993, %add3A_992 : i32
        %dma_start3A_995 = tpu.memref_slice %arg5[%mul3A_994] : memref<6400xi32, #tpu.memory_space<vmem>> -> memref<64xi32, #tpu.memory_space<vmem>>
        %dma_start3A_996 = arith.constant 0 : i32
        %dma_start3A_997 = arith.constant 0 : i32
        %dma_start3A_998 = tpu.memref_slice %arg3[%dma_start3A_996, %dma_start3A_997] : memref<100000x128xf32, #tpu.memory_space<hbm>> -> memref<100000x128xf32, #tpu.memory_space<hbm>>
        tpu.enqueue_indirect_dma source(%dma_start3A_998 : memref<100000x128xf32, #tpu.memory_space<hbm>>) target(%arg16 : memref<64x128xf32, #tpu.memory_space<vmem>>) offsets(%dma_start3A_995 : memref<64xi32, #tpu.memory_space<vmem>>) semaphore(%arg30 : memref<!tpu.dma_semaphore, #tpu.memory_space<semaphore_mem>>)
      } else {
      }
      %add3A_956 = arith.constant 13 : i32
      %add3A_957 = arith.addi %mul3A_504, %add3A_956 : i32
      %mul3A_958 = arith.constant 64 : i32
      %mul3A_959 = arith.muli %mul3A_958, %add3A_957 : i32
      %dma_wait3A_960 = tpu.memref_slice %arg5[%mul3A_959] : memref<6400xi32, #tpu.memory_space<vmem>> -> memref<64xi32, #tpu.memory_space<vmem>>
      %dma_wait3A_961 = arith.constant 0 : i32
      %dma_wait3A_962 = arith.constant 0 : i32
      %dma_wait3A_963 = tpu.memref_slice %arg3[%dma_wait3A_961, %dma_wait3A_962] : memref<100000x128xf32, #tpu.memory_space<hbm>> -> memref<100000x128xf32, #tpu.memory_space<hbm>>
      tpu.wait_indirect_dma semaphore(%arg33 : memref<!tpu.dma_semaphore, #tpu.memory_space<semaphore_mem>>) src(%dma_wait3A_963 : memref<100000x128xf32, #tpu.memory_space<hbm>>) dst(%arg19 : memref<64x128xf32, #tpu.memory_space<vmem>>)
      %dma_start3A_964 = arith.constant 0 : i32
      %dma_start3A_965 = arith.constant 0 : i32
      %dma_start3A_966 = tpu.memref_slice %arg4[%add3A, %add3A_957, %dma_start3A_964, %dma_start3A_965] : memref<32x100x64x128xf32, #tpu.memory_space<hbm>> -> memref<1x1x64x128xf32, #tpu.memory_space<hbm>>
      %dma_start3A_967 = tpu.memref_squeeze %dma_start3A_966 : memref<1x1x64x128xf32, #tpu.memory_space<hbm>> -> memref<64x128xf32, #tpu.memory_space<hbm>>
      %dma_start3A_968 = arith.constant 0 : i32
      %dma_start3A_969 = arith.constant 0 : i32
      %dma_start3A_970 = tpu.memref_slice %arg4[%add3A, %add3A_957, %dma_start3A_968, %dma_start3A_969] : memref<32x100x64x128xf32, #tpu.memory_space<hbm>> -> memref<1x1x64x128xf32, #tpu.memory_space<hbm>>
      %dma_start3A_971 = tpu.memref_squeeze %dma_start3A_970 : memref<1x1x64x128xf32, #tpu.memory_space<hbm>> -> memref<64x128xf32, #tpu.memory_space<hbm>>
      tpu.enqueue_dma source(%arg19 : memref<64x128xf32, #tpu.memory_space<vmem>>) target(%dma_start3A_971 : memref<64x128xf32, #tpu.memory_space<hbm>>) target_semaphore(%arg47 : memref<!tpu.dma_semaphore, #tpu.memory_space<semaphore_mem>>)
      %add3A_972 = arith.constant 12 : i32
      %add3A_973 = arith.addi %add3A_957, %add3A_972 : i32
      %sub3A_974 = arith.constant 14 : i32
      %sub3A_975 = arith.subi %add3A_973, %sub3A_974 : i32
      %dma_wait3A_976 = arith.constant 0 : i32
      %dma_wait3A_977 = arith.constant 0 : i32
      %dma_wait3A_978 = tpu.memref_slice %arg4[%add3A, %sub3A_975, %dma_wait3A_976, %dma_wait3A_977] : memref<32x100x64x128xf32, #tpu.memory_space<hbm>> -> memref<1x1x64x128xf32, #tpu.memory_space<hbm>>
      %dma_wait3A_979 = tpu.memref_squeeze %dma_wait3A_978 : memref<1x1x64x128xf32, #tpu.memory_space<hbm>> -> memref<64x128xf32, #tpu.memory_space<hbm>>
      %dma_wait3A_980 = arith.constant 0 : i32
      %dma_wait3A_981 = arith.constant 0 : i32
      %dma_wait3A_982 = tpu.memref_slice %arg4[%add3A, %sub3A_975, %dma_wait3A_980, %dma_wait3A_981] : memref<32x100x64x128xf32, #tpu.memory_space<hbm>> -> memref<1x1x64x128xf32, #tpu.memory_space<hbm>>
      %dma_wait3A_983 = tpu.memref_squeeze %dma_wait3A_982 : memref<1x1x64x128xf32, #tpu.memory_space<hbm>> -> memref<64x128xf32, #tpu.memory_space<hbm>>
      tpu.wait_dma2 semaphore(%arg45 : memref<!tpu.dma_semaphore, #tpu.memory_space<semaphore_mem>>) src(%arg17 : memref<64x128xf32, #tpu.memory_space<vmem>>) dst(%dma_wait3A_983 : memref<64x128xf32, #tpu.memory_space<hbm>>)
      %add3A_984 = arith.constant 12 : i32
      %add3A_985 = arith.addi %add3A_957, %add3A_984 : i32
      %lt3A_986 = arith.constant 100 : i32
      %lt3A_987 = arith.cmpi slt, %add3A_985, %lt3A_986 : i32
      %convert_element_type3A_988 = arith.extui %lt3A_987 : i1 to i32
      %cond3A_989 = arith.constant 0 : i32
      %cond3A_990 = arith.cmpi ne, %convert_element_type3A_988, %cond3A_989 : i32
      scf.if %cond3A_990 {
        %add3A_991 = arith.constant 12 : i32
        %add3A_992 = arith.addi %add3A_957, %add3A_991 : i32
        %mul3A_993 = arith.constant 64 : i32
        %mul3A_994 = arith.muli %mul3A_993, %add3A_992 : i32
        %dma_start3A_995 = tpu.memref_slice %arg5[%mul3A_994] : memref<6400xi32, #tpu.memory_space<vmem>> -> memref<64xi32, #tpu.memory_space<vmem>>
        %dma_start3A_996 = arith.constant 0 : i32
        %dma_start3A_997 = arith.constant 0 : i32
        %dma_start3A_998 = tpu.memref_slice %arg3[%dma_start3A_996, %dma_start3A_997] : memref<100000x128xf32, #tpu.memory_space<hbm>> -> memref<100000x128xf32, #tpu.memory_space<hbm>>
        tpu.enqueue_indirect_dma source(%dma_start3A_998 : memref<100000x128xf32, #tpu.memory_space<hbm>>) target(%arg17 : memref<64x128xf32, #tpu.memory_space<vmem>>) offsets(%dma_start3A_995 : memref<64xi32, #tpu.memory_space<vmem>>) semaphore(%arg31 : memref<!tpu.dma_semaphore, #tpu.memory_space<semaphore_mem>>)
      } else {
      }
    }
    %scan3A_437 = arith.constant 6 : i32
    %dma_wait3A_438 = arith.constant 6272 : i32
    %dma_wait3A_439 = tpu.memref_slice %arg5[%dma_wait3A_438] : memref<6400xi32, #tpu.memory_space<vmem>> -> memref<64xi32, #tpu.memory_space<vmem>>
    %dma_wait3A_440 = arith.constant 0 : i32
    %dma_wait3A_441 = arith.constant 0 : i32
    %dma_wait3A_442 = tpu.memref_slice %arg3[%dma_wait3A_440, %dma_wait3A_441] : memref<100000x128xf32, #tpu.memory_space<hbm>> -> memref<100000x128xf32, #tpu.memory_space<hbm>>
    tpu.wait_indirect_dma semaphore(%arg20 : memref<!tpu.dma_semaphore, #tpu.memory_space<semaphore_mem>>) src(%dma_wait3A_442 : memref<100000x128xf32, #tpu.memory_space<hbm>>) dst(%arg6 : memref<64x128xf32, #tpu.memory_space<vmem>>)
    %dma_start3A_443 = arith.constant 98 : i32
    %dma_start3A_444 = arith.constant 0 : i32
    %dma_start3A_445 = arith.constant 0 : i32
    %dma_start3A_446 = tpu.memref_slice %arg4[%add3A, %dma_start3A_443, %dma_start3A_444, %dma_start3A_445] : memref<32x100x64x128xf32, #tpu.memory_space<hbm>> -> memref<1x1x64x128xf32, #tpu.memory_space<hbm>>
    %dma_start3A_447 = tpu.memref_squeeze %dma_start3A_446 : memref<1x1x64x128xf32, #tpu.memory_space<hbm>> -> memref<64x128xf32, #tpu.memory_space<hbm>>
    %dma_start3A_448 = arith.constant 0 : i32
    %dma_start3A_449 = arith.constant 0 : i32
    %dma_start3A_450 = tpu.memref_slice %arg4[%add3A, %dma_start3A_443, %dma_start3A_448, %dma_start3A_449] : memref<32x100x64x128xf32, #tpu.memory_space<hbm>> -> memref<1x1x64x128xf32, #tpu.memory_space<hbm>>
    %dma_start3A_451 = tpu.memref_squeeze %dma_start3A_450 : memref<1x1x64x128xf32, #tpu.memory_space<hbm>> -> memref<64x128xf32, #tpu.memory_space<hbm>>
    tpu.enqueue_dma source(%arg6 : memref<64x128xf32, #tpu.memory_space<vmem>>) target(%dma_start3A_451 : memref<64x128xf32, #tpu.memory_space<hbm>>) target_semaphore(%arg34 : memref<!tpu.dma_semaphore, #tpu.memory_space<semaphore_mem>>)
    %dma_wait3A_452 = arith.constant 6336 : i32
    %dma_wait3A_453 = tpu.memref_slice %arg5[%dma_wait3A_452] : memref<6400xi32, #tpu.memory_space<vmem>> -> memref<64xi32, #tpu.memory_space<vmem>>
    %dma_wait3A_454 = arith.constant 0 : i32
    %dma_wait3A_455 = arith.constant 0 : i32
    %dma_wait3A_456 = tpu.memref_slice %arg3[%dma_wait3A_454, %dma_wait3A_455] : memref<100000x128xf32, #tpu.memory_space<hbm>> -> memref<100000x128xf32, #tpu.memory_space<hbm>>
    tpu.wait_indirect_dma semaphore(%arg21 : memref<!tpu.dma_semaphore, #tpu.memory_space<semaphore_mem>>) src(%dma_wait3A_456 : memref<100000x128xf32, #tpu.memory_space<hbm>>) dst(%arg7 : memref<64x128xf32, #tpu.memory_space<vmem>>)
    %dma_start3A_457 = arith.constant 99 : i32
    %dma_start3A_458 = arith.constant 0 : i32
    %dma_start3A_459 = arith.constant 0 : i32
    %dma_start3A_460 = tpu.memref_slice %arg4[%add3A, %dma_start3A_457, %dma_start3A_458, %dma_start3A_459] : memref<32x100x64x128xf32, #tpu.memory_space<hbm>> -> memref<1x1x64x128xf32, #tpu.memory_space<hbm>>
    %dma_start3A_461 = tpu.memref_squeeze %dma_start3A_460 : memref<1x1x64x128xf32, #tpu.memory_space<hbm>> -> memref<64x128xf32, #tpu.memory_space<hbm>>
    %dma_start3A_462 = arith.constant 0 : i32
    %dma_start3A_463 = arith.constant 0 : i32
    %dma_start3A_464 = tpu.memref_slice %arg4[%add3A, %dma_start3A_457, %dma_start3A_462, %dma_start3A_463] : memref<32x100x64x128xf32, #tpu.memory_space<hbm>> -> memref<1x1x64x128xf32, #tpu.memory_space<hbm>>
    %dma_start3A_465 = tpu.memref_squeeze %dma_start3A_464 : memref<1x1x64x128xf32, #tpu.memory_space<hbm>> -> memref<64x128xf32, #tpu.memory_space<hbm>>
    tpu.enqueue_dma source(%arg7 : memref<64x128xf32, #tpu.memory_space<vmem>>) target(%dma_start3A_465 : memref<64x128xf32, #tpu.memory_space<hbm>>) target_semaphore(%arg35 : memref<!tpu.dma_semaphore, #tpu.memory_space<semaphore_mem>>)
    %dma_wait3A_466 = arith.constant 96 : i32
    %dma_wait3A_467 = arith.constant 0 : i32
    %dma_wait3A_468 = arith.constant 0 : i32
    %dma_wait3A_469 = tpu.memref_slice %arg4[%add3A, %dma_wait3A_466, %dma_wait3A_467, %dma_wait3A_468] : memref<32x100x64x128xf32, #tpu.memory_space<hbm>> -> memref<1x1x64x128xf32, #tpu.memory_space<hbm>>
    %dma_wait3A_470 = tpu.memref_squeeze %dma_wait3A_469 : memref<1x1x64x128xf32, #tpu.memory_space<hbm>> -> memref<64x128xf32, #tpu.memory_space<hbm>>
    %dma_wait3A_471 = arith.constant 0 : i32
    %dma_wait3A_472 = arith.constant 0 : i32
    %dma_wait3A_473 = tpu.memref_slice %arg4[%add3A, %dma_wait3A_466, %dma_wait3A_471, %dma_wait3A_472] : memref<32x100x64x128xf32, #tpu.memory_space<hbm>> -> memref<1x1x64x128xf32, #tpu.memory_space<hbm>>
    %dma_wait3A_474 = tpu.memref_squeeze %dma_wait3A_473 : memref<1x1x64x128xf32, #tpu.memory_space<hbm>> -> memref<64x128xf32, #tpu.memory_space<hbm>>
    tpu.wait_dma2 semaphore(%arg46 : memref<!tpu.dma_semaphore, #tpu.memory_space<semaphore_mem>>) src(%arg18 : memref<64x128xf32, #tpu.memory_space<vmem>>) dst(%dma_wait3A_474 : memref<64x128xf32, #tpu.memory_space<hbm>>)
    %dma_wait3A_475 = arith.constant 97 : i32
    %dma_wait3A_476 = arith.constant 0 : i32
    %dma_wait3A_477 = arith.constant 0 : i32
    %dma_wait3A_478 = tpu.memref_slice %arg4[%add3A, %dma_wait3A_475, %dma_wait3A_476, %dma_wait3A_477] : memref<32x100x64x128xf32, #tpu.memory_space<hbm>> -> memref<1x1x64x128xf32, #tpu.memory_space<hbm>>
    %dma_wait3A_479 = tpu.memref_squeeze %dma_wait3A_478 : memref<1x1x64x128xf32, #tpu.memory_space<hbm>> -> memref<64x128xf32, #tpu.memory_space<hbm>>
    %dma_wait3A_480 = arith.constant 0 : i32
    %dma_wait3A_481 = arith.constant 0 : i32
    %dma_wait3A_482 = tpu.memref_slice %arg4[%add3A, %dma_wait3A_475, %dma_wait3A_480, %dma_wait3A_481] : memref<32x100x64x128xf32, #tpu.memory_space<hbm>> -> memref<1x1x64x128xf32, #tpu.memory_space<hbm>>
    %dma_wait3A_483 = tpu.memref_squeeze %dma_wait3A_482 : memref<1x1x64x128xf32, #tpu.memory_space<hbm>> -> memref<64x128xf32, #tpu.memory_space<hbm>>
    tpu.wait_dma2 semaphore(%arg47 : memref<!tpu.dma_semaphore, #tpu.memory_space<semaphore_mem>>) src(%arg19 : memref<64x128xf32, #tpu.memory_space<vmem>>) dst(%dma_wait3A_483 : memref<64x128xf32, #tpu.memory_space<hbm>>)
    %dma_wait3A_484 = arith.constant 98 : i32
    %dma_wait3A_485 = arith.constant 0 : i32
    %dma_wait3A_486 = arith.constant 0 : i32
    %dma_wait3A_487 = tpu.memref_slice %arg4[%add3A, %dma_wait3A_484, %dma_wait3A_485, %dma_wait3A_486] : memref<32x100x64x128xf32, #tpu.memory_space<hbm>> -> memref<1x1x64x128xf32, #tpu.memory_space<hbm>>
    %dma_wait3A_488 = tpu.memref_squeeze %dma_wait3A_487 : memref<1x1x64x128xf32, #tpu.memory_space<hbm>> -> memref<64x128xf32, #tpu.memory_space<hbm>>
    %dma_wait3A_489 = arith.constant 0 : i32
    %dma_wait3A_490 = arith.constant 0 : i32
    %dma_wait3A_491 = tpu.memref_slice %arg4[%add3A, %dma_wait3A_484, %dma_wait3A_489, %dma_wait3A_490] : memref<32x100x64x128xf32, #tpu.memory_space<hbm>> -> memref<1x1x64x128xf32, #tpu.memory_space<hbm>>
    %dma_wait3A_492 = tpu.memref_squeeze %dma_wait3A_491 : memref<1x1x64x128xf32, #tpu.memory_space<hbm>> -> memref<64x128xf32, #tpu.memory_space<hbm>>
    tpu.wait_dma2 semaphore(%arg34 : memref<!tpu.dma_semaphore, #tpu.memory_space<semaphore_mem>>) src(%arg6 : memref<64x128xf32, #tpu.memory_space<vmem>>) dst(%dma_wait3A_492 : memref<64x128xf32, #tpu.memory_space<hbm>>)
    %dma_wait3A_493 = arith.constant 99 : i32
    %dma_wait3A_494 = arith.constant 0 : i32
    %dma_wait3A_495 = arith.constant 0 : i32
    %dma_wait3A_496 = tpu.memref_slice %arg4[%add3A, %dma_wait3A_493, %dma_wait3A_494, %dma_wait3A_495] : memref<32x100x64x128xf32, #tpu.memory_space<hbm>> -> memref<1x1x64x128xf32, #tpu.memory_space<hbm>>
    %dma_wait3A_497 = tpu.memref_squeeze %dma_wait3A_496 : memref<1x1x64x128xf32, #tpu.memory_space<hbm>> -> memref<64x128xf32, #tpu.memory_space<hbm>>
    %dma_wait3A_498 = arith.constant 0 : i32
    %dma_wait3A_499 = arith.constant 0 : i32
    %dma_wait3A_500 = tpu.memref_slice %arg4[%add3A, %dma_wait3A_493, %dma_wait3A_498, %dma_wait3A_499] : memref<32x100x64x128xf32, #tpu.memory_space<hbm>> -> memref<1x1x64x128xf32, #tpu.memory_space<hbm>>
    %dma_wait3A_501 = tpu.memref_squeeze %dma_wait3A_500 : memref<1x1x64x128xf32, #tpu.memory_space<hbm>> -> memref<64x128xf32, #tpu.memory_space<hbm>>
    tpu.wait_dma2 semaphore(%arg35 : memref<!tpu.dma_semaphore, #tpu.memory_space<semaphore_mem>>) src(%arg7 : memref<64x128xf32, #tpu.memory_space<vmem>>) dst(%dma_wait3A_501 : memref<64x128xf32, #tpu.memory_space<hbm>>)
    return
  }
}

</mosaic_0001>

<sc_bundles>
// kernel: kernel.3.cloned.1.call-start
scs
__scs_entry_jumppad:
0x0: {  	(pc) =	sbr.rel $0x88, $3  }
0x1: {  	(tag) =	ssettag $0x0;
	lr =	simm.s32 $0x1  }
0x2: {  	[smem:$0x3F9F] =	sst lr;
	_ =	strace $0xD0000000  }
0x3: {  	_ = 	snop  }
0x4: {  	_ = 	snop  }
0x5: {  	_ = 	snop  }
0x6: {  	_ = 	snop  }
0x7: {  	_ = 	snop  }
__scs_overlays_trampoline_lowered:
0x8: {  	[smem:$0x3FAE] =	sst s0  }
0x9: {  	[smem:$0x3FAF] =	sst s1  }
0xa: {  	[smem:$0x3FB0] =	sst s2  }
0xb: {  	[smem:$0x3FB1] =	sst s3  }
0xc: {  	[smem:$0x3FB2] =	sst s4  }
0xd: {  	[smem:$0x3FB3] =	sst s5  }
0xe: {  	[smem:$0x3FB4] =	sst s6  }
0xf: {  	[smem:$0x3FB5] =	sst s7  }
0x10: {  	[smem:$0x3FB6] =	sst s8  }
0x11: {  	[smem:$0x3FB7] =	sst s9;
	s0 =	simm.s32 @!p0 $0x0  }
0x12: {  	s1 =	sld [smem:$0x3F9D];
	s0 =	simm.s32 @p0 $0x1  }
0x13: {  	[smem:$0x3FB8] =	sst s0;
	s0 =	simm.s32 @!p1 $0x0  }
0x14: {  	s2 =	sld [smem:$0x3F9C];
	s0 =	simm.s32 @p1 $0x1  }
0x15: {  	[smem:$0x3FB9] =	sst s0;
	s0 =	simm.s32 @!p2 $0x0  }
0x16: {  	s3 =	sld [smem:$0x3FDB];
	s0 =	simm.s32 @p2 $0x1  }
0x17: {  	s4 =	simm.s32 $0x1BF5;
	[smem:$0x3FBB] =	sst s0  }
0x18: {  	s0 =	sld [smem:$0x3F9E];
	_ =	swait.ge [sflag:s4], $0x0  }
0x19: {  	s7 =	sld [smem:$0x3F9F]  }
0x1a: {  	s8 =	sadd.s32 $0xFFFFE003, lr  }
0x1b: {  	s9 =	sadd.s32 $0xFFFFFEF7, lr;
	s5 =	simm.s32 $0xFFFFFFFF;
	p2 =	slt.u32 s8, $0xFFFFF086  }
0x1c: {  	p1 =	slt.u32 s9, $0xF7A;
	s5 =	simm.s32 @!p2 $0x0  }
0x1d: {  	s5 =	simm.s32 @p1 $0x1;
	p0 =	seq.s32 s7, s2  }
0x1e: {  	s7 =	smul.u32 @!p0 $0xF7A, s2;
	p2 =	seq.s32 @!p0 s5, $0x0  }
0x1f: {  	s9 =	smul.u32 $0xF7A, s1;
	s8 =	simm.s32 @!p0 $0x1BF5;
	p2 =	por !p2, p0  }
0x20: {  	[sflag:s8] =	ssyncset.s32 @!p0 $0xFFFFF086;
	s6 =	sadd.s32 @!p0 s3, s7;
	s7 =	simm.s32 @!p0 $0x108  }
0x21: {  	s3 =	sadd.s32 s3, s9;
	s6 =	sadd.s32 @!p0 $0x88, s6;
	s7 =	simm.s32 @p2 $0x1082  }
0x22: {  	[simem:s7], [sflag:s8] =	dma.local @!p0 [hbm:s6], $0xF7A  }
0x23: {  	s9 =	sor.u32 $0xD0000000, s2;
	s6 =	simm.s32 $0x108;
	_ =	swait.ge @!p0 [sflag:s8], $0x0  }
0x24: {  	s3 =	sadd.s32 $0x88, s3;
	s6 =	simm.s32 @!p1 $0x1082;
	[sflag:s4] =	ssyncset.s32 $0xFFFFF086  }
0x25: {  	[simem:s6], [sflag:s4] =	dma.local [hbm:s3], $0xF7A  }
0x26: {  	[smem:$0x3F9F] =	sst s1;
	(tag) =	ssettag s2;
	_ =	strace s9  }
0x27: {  	s1 =	sld [smem:$0x3FAF]  }
0x28: {  	s2 =	sld [smem:$0x3FB0]  }
0x29: {  	s4 =	sld [smem:$0x3FB2]  }
0x2a: {  	p0 =	seq.s32 s5, $0x0;
	s5 =	sld [smem:$0x3FB3]  }
0x2b: {  	s6 =	sld [smem:$0x3FB4]  }
0x2c: {  	s7 =	sld [smem:$0x3FB5]  }
0x2d: {  	s3 =	simm.s32 $0x108;
	s8 =	sld [smem:$0x3FB6]  }
0x2e: {  	s3 =	simm.s32 @!p0 $0x1082;
	s9 =	sld [smem:$0x3FB7]  }
0x2f: {  	lr =	sadd.s32 s0, s3;
	s0 =	sld [smem:$0x3FAE]  }
0x30: {  	s3 =	sld [smem:$0x3FB1]  }
0x31: {  	[smem:$0x3FBA] =	sst s10  }
0x32: {  	s10 =	sld [smem:$0x3FB8];
	_ =	sdelay $0x3  }
0x33: {  	p0 =	seq.s32 s10, $0x1;
	s10 =	sld [smem:$0x3FBA];
	_ =	sdelay $0x3  }
0x34: {  	[smem:$0x3FBA] =	sst s10  }
0x35: {  	s10 =	sld [smem:$0x3FB9];
	_ =	sdelay $0x3  }
0x36: {  	p1 =	seq.s32 s10, $0x1;
	s10 =	sld [smem:$0x3FBA];
	_ =	sdelay $0x3  }
0x37: {  	[smem:$0x3FBA] =	sst s10  }
0x38: {  	s10 =	sld [smem:$0x3FBB]  }
0x39: {  	_ = 	snop;
	(pc) =	sbr.ind lr, $3  }
0x3a: {  	_ = 	snop  }
0x3b: {  	_ = 	snop  }
0x3c: {  	p2 =	seq.s32 s10, $0x1;
	s10 =	sld [smem:$0x3FBA]  }
0x3d: {  	_ =	shalt  }
0x3e: {  	_ =	shalt  }
0x3f: {  	_ =	shalt  }
0x40: {  	_ =	shalt  }
0x41: {  	_ =	shalt  }
0x42: {  	_ =	shalt  }
0x43: {  	_ =	shalt  }
0x44: {  	_ =	shalt  }
0x45: {  	_ =	shalt  }
0x46: {  	_ =	shalt  }
0x47: {  	_ =	shalt  }
0x48: {  	_ =	shalt  }
0x49: {  	_ =	shalt  }
0x4a: {  	_ =	shalt  }
0x4b: {  	_ =	shalt  }
0x4c: {  	_ =	shalt  }
0x4d: {  	_ =	shalt  }
0x4e: {  	_ =	shalt  }
0x4f: {  	_ =	shalt  }
0x50: {  	_ =	shalt  }
0x51: {  	_ =	shalt  }
0x52: {  	_ =	shalt  }
0x53: {  	_ =	shalt  }
0x54: {  	_ =	shalt  }
0x55: {  	_ =	shalt  }
0x56: {  	_ =	shalt  }
0x57: {  	_ =	shalt  }
0x58: {  	_ =	shalt  }
0x59: {  	_ =	shalt  }
0x5a: {  	_ =	shalt  }
0x5b: {  	_ =	shalt  }
0x5c: {  	_ =	shalt  }
0x5d: {  	_ =	shalt  }
0x5e: {  	_ =	shalt  }
0x5f: {  	_ =	shalt  }
0x60: {  	_ =	shalt  }
0x61: {  	_ =	shalt  }
0x62: {  	_ =	shalt  }
0x63: {  	_ =	shalt  }
0x64: {  	_ =	shalt  }
0x65: {  	_ =	shalt  }
0x66: {  	_ =	shalt  }
0x67: {  	_ =	shalt  }
0x68: {  	_ =	shalt  }
0x69: {  	_ =	shalt  }
0x6a: {  	_ =	shalt  }
0x6b: {  	_ =	shalt  }
0x6c: {  	_ =	shalt  }
0x6d: {  	_ =	shalt  }
0x6e: {  	_ =	shalt  }
0x6f: {  	_ =	shalt  }
0x70: {  	_ =	shalt  }
0x71: {  	_ =	shalt  }
0x72: {  	_ =	shalt  }
0x73: {  	_ =	shalt  }
0x74: {  	_ =	shalt  }
0x75: {  	_ =	shalt  }
0x76: {  	_ =	shalt  }
0x77: {  	_ =	shalt  }
0x78: {  	_ =	shalt  }
0x79: {  	_ =	shalt  }
0x7a: {  	_ =	shalt  }
0x7b: {  	_ =	shalt  }
0x7c: {  	_ =	shalt  }
0x7d: {  	_ =	shalt  }
0x7e: {  	_ =	shalt  }
0x7f: {  	_ =	shalt  }
0x80: {  	_ =	shalt  }
0x81: {  	_ =	shalt  }
0x82: {  	_ =	shalt  }
0x83: {  	_ =	shalt  }
0x84: {  	_ =	shalt  }
0x85: {  	_ =	shalt  }
0x86: {  	_ =	shalt  }
0x87: {  	_ =	shalt  }
.Lfunc_end0:
.L_simem_size_0:
called_computation_lowered:
.L_overlay_start_0:
0x88: {  	s2 =	sld [smem:$0x3FD9]  }
0x89: {  	s3 =	sld [smem:$0x3FFE];
	_ =	sdelay $0x1  }
0x8a: {  	s1 =	srdreg.scid  }
0x8b: {  	s0 =	sand.u32 $0x1, s1  }
0x8c: {  	s17 =	sshll.u32 s0, $0xA;
	s2 =	sadd.s32 s3, s2  }
0x8d: {  	s2 =	sadd.s32 s2, s17  }
0x8e: {  	[smem:$0x3FC6] =	sst s2  }
0x8f: {  	_ = 	snop  }
0x90: {  	s2 =	sld [smem:$0x3FC8]  }
0x91: {  	s18 =	sld [smem:$0x3FD0];
	(tm) =	ssettm $0x1  }
0x92: {  	s4 =	sld [smem:$0x3FFB];
	_ =	sdelay $0x3  }
0x93: {  	_ =	strace s4  }
0x94: {  	s4 =	sld [smem:$0x3FFC];
	_ =	sdelay $0x3  }
0x95: {  	_ =	strace s4  }
0x96: {  	s4 =	sld [smem:$0x3FFD];
	_ =	sdelay $0x3  }
0x97: {  	_ =	strace s4  }
0x98: {  	_ =	strace $0x8FFFFFFF  }
0x99: {  	s19 =	sld [smem:$0x3FDB];
	_ =	sdelay $0x1  }
0x9a: {  	s5 =	simm.s32 $_scs_section_size  }
0x9b: {  	s6 =	simm.s32 $_size__tile_overlayer_lowered;
	s7 =	simm.s32 $_tile_overlayer_lowered  }
0x9c: {  	s22 =	simm.s32 $0x1BFF;
	s21 =	sshll.u32 s7, $0x1;
	s4 =	sadd.s32 s5, s19  }
0x9d: {  	s8 =	simm.s32 $0x0;
	s20 =	sshll.u32 s6, $0x1;
	s6 =	sadd.s32 s21, s4  }
0x9e: {  	[timem:s8], [sflag:s22] =	dma.local [hbm:s6], s20  }
0x9f: {  	_ =	swait.ge [sflag:s22], s20  }
0xa0: {  	s5 =	ssub.s32 $0x0, s20;
	[sflag:s22] =	ssyncset.done $0x0  }
0xa1: {  	[sflag:s22] =	ssyncadd.s32 s5;
	_ =	sdelay $0x1  }
0xa2: {  	s23 =	simm.s32 $0x1B8B  }
0xa3: {  	_ =	swait.ge [sflag:s23], $0x1  }
0xa4: {  	[sflag:s23] =	ssyncset.done $0x0  }
0xa5: {  	s25 =	simm.s32 $0x1B8E;
	s24 =	sld [smem:$0x3FFE];
	[sflag:s23] =	ssyncadd.s32 $0xFFFFFFFF  }
0xa6: {  	s26 =	simm.s32 $execute0_lowered;
	[smem:$0x3FD2] =	sst s25  }
0xa7: {  	s6 =	sshll.u32 s26, $0x1;
	_ =	strace $0x80000046;
	[dreg:$0x1] =	wrdreg $0xFFFFFFFF  }
0xa8: {  	s28 =	simm.s32 $_size_execute0_lowered;
	s4 =	sadd.s32 s4, s6;
	[dreg:$0x0] =	wrdreg $0x0  }
0xa9: {  	s6 =	sshll.u32 s28, $0x1;
	[dreg:$0x2] =	wrdreg s4  }
0xaa: {  	[dreg:$0x3] =	wrdreg s6  }
0xab: {  	[dreg:$0x4] =	wrdreg $0xC0  }
0xac: {  	_ =	task [dreg:s8], $0x5FFFF  }
0xad: {  	[dreg:$0x1] =	wrdreg $0xFFFFFFFF  }
0xae: {  	[dreg:$0x0] =	wrdreg $0x60  }
0xaf: {  	[dreg:$0x2] =	wrdreg s24  }
0xb0: {  	[dreg:$0x3] =	wrdreg s2  }
0xb1: {  	[dreg:$0x4] =	wrdreg s18  }
0xb2: {  	[dreg:$0x5] =	wrdreg $0x9  }
0xb3: {  	_ =	task.clear_ibuf [dreg:s8], $0x6FFFF;
	_ =	strace $0x90000046  }
0xb4: {  	s29 =	simm.s32 $0x9;
	_ =	strace $0x80000048  }
0xb5: {  	_ =	swait.ge [sflag:s29], $0x1  }
0xb6: {  	[sflag:s29] =	ssyncadd.s32 $0xFFFFFFFF  }
0xb7: {  	_ =	strace $0x90000048  }
0xb8: {  	_ =	sfence  }
0xb9: {  	s30 =	sld [smem:$0x0];
	_ =	sdelay $0x2  }
0xba: {  	s31 =	sshll.u32 s1, $0xD;
	s1 =	sshrl.u32 s1, $0x2  }
0xbb: {  	s3 =	sand.u32 $0x4000, s31;
	s1 =	sadd.s32 s1, s30  }
0xbc: {  	s0 =	sor.u32 s3, s0;
	s1 =	sshll.u32 s1, $0x11  }
0xbd: {  	s0 =	sor.u32 s1, s0  }
0xbe: {  	s0 =	sadd.s32 $0x8F2B, s0  }
0xbf: {  	[sflag:s0] =	ssyncadd.remote.s32 $0x1  }
0xc0: {  	_ =	sfence.sel $0xFFFF  }
0xc1: {  	[dreg:$0x0] =	wrdreg $0xFFFFFFFF;
	(pc) =	sbr.abs _section_cstart, $3  }
0xc2: {  	[dreg:$0x1] =	wrdreg $0xFFFFFFFF  }
0xc3: {  	_ =	task.clear_ibuf [dreg:s8], $0x2FFFF;
	_ =	strace $0x9FFFFFFF  }
0xc4: {  	(tm) =	ssettm $0x7FFFFFFF  }
0xc5: {  	_ =	shalt  }
tec
execute0_lowered:
.L_overlay_start_1:
0x0: {  	(tag) =	ssettag $0x1  }
0x1: {  	s0 =	srdreg.scid;
	s3 =	rddreg [dreg:$0x0]  }
0x2: {  	s7 =	stileid.u32;
	s2 =	rddreg [dreg:$0x1]  }
0x3: {  	s8 =	rddreg [dreg:$0x2];
	s28 =	simm.s32 $0x19;
	s0 =	sand.u32 $0x1, s0  }
0x4: {  	s1 =	sshll.u32 s7, $0x1;
	s4 =	sshrl.u32 s7, $0x2;
	s7 =	smul.u32 $0x190000, s7  }
0x5: {  	s29 =	simm.s32 $0xE;
	s1 =	sor.u32 s0, s1;
	s5 =	smul.u32 $0xC800, s4  }
0x6: {  	s4 =	simm.s32 $0x0;
	s14 =	ssub.s32 $0x2, s0;
	s0 =	smul.u32 $0xC8000, s0  }
0x7: {  	s13 =	sshll.u32 s1, $0x7;
	[smem:$0x7FF] =	sst s4;
	s1 =	smul.u32 $0xC8000, s1  }
0x8: {  	s6 =	sand.u32 $0x380, s13;
	_ =	strace $0x80000047;
	s0 =	sadd.s32 s0, s7  }
0x9: {  	s5 =	sor.u32 s5, s6;
	s1 =	sshrl.u32 s1, $0x3;
	s22 =	sadd.s32 $0x32000, s0  }
0xa: {  	s23 =	sadd.s32 $0x30000, s0;
	s6 =	sadd.s32 s8, s1;
	s1 =	sshrl.u32 s22, $0x3  }
0xb: {  	s9 =	sadd.s32 $0x24000, s0;
	s24 =	sshrl.u32 s23, $0x3;
	[dreg:$0xb] =	wrdreg s1  }
0xc: {  	s30 =	simm.s32 $0x1C;
	s10 =	sshrl.u32 s9, $0x3;
	[dreg:$0xc] =	wrdreg s24  }
0xd: {  	s15 =	sshrl.u32 s14, $0x1;
	s25 =	sadd.s32 $0x2E000, s0;
	[dreg:$0x12] =	wrdreg s10  }
0xe: {  	s26 =	sadd.s32 $0x2C000, s0;
	s17 =	sadd.s32 $0x400, s6;
	[dreg:$0x4] =	wrdreg s6  }
0xf: {  	s31 =	sadd.s32 $0x2A000, s0;
	s18 =	sadd.s32 $0x800, s6;
	[dreg:$0x6] =	wrdreg s17  }
0x10: {  	s13 =	sadd.s32 $0x1E000, s0;
	s19 =	sadd.s32 $0xC00, s6;
	[dreg:$0x7] =	wrdreg s18  }
0x11: {  	s5 =	sshrl.u32 s5, $0x3;
	s20 =	sadd.s32 $0x1000, s6;
	[dreg:$0x8] =	wrdreg s19  }
0x12: {  	s3 =	sadd.s32 s5, s3;
	s1 =	sshrl.u32 s25, $0x3;
	[dreg:$0x9] =	wrdreg s20  }
0x13: {  	s5 =	ssub.s32 s14, s15;
	s14 =	sshrl.u32 s13, $0x3;
	[dreg:$0xd] =	wrdreg s1  }
0x14: {  	s7 =	sadd.s32 $0x28000, s0;
	s22 =	sadd.s32 $0x2800, s6;
	[dreg:$0x15] =	wrdreg s14  }
0x15: {  	s11 =	sadd.s32 $0x22000, s0;
	s23 =	sadd.s32 $0x2C00, s6;
	[dreg:$0x1e] =	wrdreg s22  }
0x16: {  	s12 =	sadd.s32 $0x20000, s0;
	s24 =	sadd.s32 $0x3000, s6;
	[dreg:$0x1f] =	wrdreg s23  }
0x17: {  	s8 =	sadd.s32 $0x26000, s0;
	s25 =	sadd.s32 $0x3400, s6;
	[smem:$0x7FA] =	sst s24  }
0x18: {  	s9 =	simm.s32 $0x1A;
	s16 =	sadd.s32 $0x400, s3;
	[smem:$0x7FB] =	sst s25  }
0x19: {  	s15 =	sadd.s32 $0x36000, s0;
	s21 =	smax.u32 s5, $0x1;
	[dreg:$0x5] =	wrdreg s16  }
0x1a: {  	s10 =	simm.s32 $0xF;
	s1 =	sshrl.u32 s26, $0x3;
	[dreg:$0xa] =	wrdreg s21  }
0x1b: {  	s5 =	sshrl.u32 s31, $0x3;
	s17 =	sadd.s32 $0x1400, s6;
	[dreg:$0xe] =	wrdreg s1  }
0x1c: {  	s18 =	sadd.s32 $0x1800, s6;
	s19 =	sadd.s32 $0x1C00, s6;
	[dreg:$0xf] =	wrdreg s5  }
0x1d: {  	s20 =	sadd.s32 $0x2000, s6;
	s26 =	sadd.s32 $0x18800, s6;
	[dreg:$0x19] =	wrdreg s17  }
0x1e: {  	s31 =	sadd.s32 $0x18C00, s6;
	s23 =	simm.s32 $0x40;
	[dreg:$0x1a] =	wrdreg s18  }
0x1f: {  	s14 =	simm.s32 $0x8;
	s22 =	simm.s32 $0xC;
	[dreg:$0x1b] =	wrdreg s19  }
0x20: {  	s24 =	simm.s32 $0x18;
	s25 =	simm.s32 $0xD;
	[dreg:$0x1c] =	wrdreg s20  }
0x21: {  	s1 =	sshrl.u32 s7, $0x3;
	s16 =	sadd.s32 $0x1C000, s0;
	[smem:$0x7FC] =	sst s26  }
0x22: {  	s0 =	sadd.s32 $0x34000, s0;
	s21 =	sadd.s32 $0x2400, s6;
	[smem:$0x7FD] =	sst s31  }
0x23: {  	s7 =	simm.s32 $0x1900;
	s17 =	simm.s32 $0x15;
	s18 =	simm.s32 $0xA  }
0x24: {  	s19 =	simm.s32 $0x16;
	s20 =	simm.s32 $0xB;
	[dreg:$0x10] =	wrdreg s1  }
0x25: {  	s26 =	simm.s32 $0x1B;
	s1 =	sshrl.u32 s8, $0x3;
	[dreg:$0x16] =	wrdreg s16  }
0x26: {  	s0 =	sshrl.u32 s0, $0x3;
	[dreg:$0x1d] =	wrdreg s21;
	s8 =	simm.s32 $0x3900  }
.Ltmp0:
0x27: {  	s16 =	simm.s32 $0x9;
	[dreg:$0x11] =	wrdreg s1;
	(pc) =	sbr.rel .LBB2_1-.Ltmp0, $4  }
0x28: {  	s21 =	simm.s32 $0x17;
	s1 =	sshrl.u32 s11, $0x3;
	[dreg:$0x18] =	wrdreg s0  }
0x29: {  	s11 =	simm.s32 $0x10;
	[dreg:$0x13] =	wrdreg s1;
	s1 =	sshrl.u32 s12, $0x3  }
0x2a: {  	s12 =	simm.s32 $0x2;
	[dreg:$0x14] =	wrdreg s1;
	s1 =	sshrl.u32 s15, $0x3  }
0x2b: {  	s15 =	simm.s32 $0x14;
	[dreg:$0x17] =	wrdreg s1;
	s1 =	simm.s32 $0x0  }
.LBB2_4:
0x2c: {  	s0 =	simm.s32 $0x1  }
0x2d: {  	_ =	swait.ge [sflag:s0], $0x2000  }
0x2e: {  	s12 =	sld [smem:$0x7FC]  }
0x2f: {  	[sflag:s0] =	ssyncset.done $0x0  }
0x30: {  	s7 =	simm.s32 $0x1900;
	[sflag:s0] =	ssyncadd.s32 $0xFFFFE000  }
0x31: {  	[hbm4b:s12+s4] =	stream.linear.scatter [tilespmem:s7], [sflag:$0xF], $0x2000, $0x38;
	[tilespmem:$0x1D900] =	vst v63  }
0x32: {  	s12 =	simm.s32 $0x2  }
0x33: {  	_ =	swait.ge [sflag:s12], $0x2000  }
0x34: {  	s13 =	sld [smem:$0x7FD]  }
0x35: {  	[sflag:s12] =	ssyncset.done $0x0  }
0x36: {  	s8 =	simm.s32 $0x3900;
	[sflag:s12] =	ssyncadd.s32 $0xFFFFE000  }
0x37: {  	[hbm4b:s13+s4] =	stream.linear.scatter [tilespmem:s8], [sflag:$0x10], $0x2000, $0x38;
	[tilespmem:$0x1D900] =	vst v63  }
0x38: {  	_ =	swait.ge [sflag:s26], $0x2000  }
0x39: {  	[sflag:s26] =	ssyncset.done $0x0  }
0x3a: {  	[sflag:s26] =	ssyncadd.s32 $0xFFFFE000  }
0x3b: {  	_ =	swait.ge [sflag:s30], $0x2000  }
0x3c: {  	[sflag:s30] =	ssyncset.done $0x0  }
0x3d: {  	s10 =	simm.s32 $0xF;
	[sflag:s30] =	ssyncadd.s32 $0xFFFFE000  }
0x3e: {  	_ =	swait.ge [sflag:s10], $0x2000  }
0x3f: {  	[sflag:s10] =	ssyncset.done $0x0  }
0x40: {  	[sflag:s10] =	ssyncadd.s32 $0xFFFFE000  }
0x41: {  	_ =	swait.ge [sflag:s11], $0x2000  }
0x42: {  	s1 =	sld [smem:$0x7F9];
	_ =	sdelay $0x2  }
0x43: {  	s31 =	rddreg [dreg:$0xa];
	s1 =	sadd.s32 $0x1, s1  }
0x44: {  	p0 =	sne.s32 s1, s31  }
.Ltmp1:
0x45: {  	_ = 	snop;
	(pc) =	sbr.rel @!p0 .LBB2_5-.Ltmp1, $3  }
0x46: {  	_ =	sdelay $0x1  }
0x47: {  	[sflag:s11] =	ssyncset.done $0x0  }
0x48: {  	[sflag:s11] =	ssyncadd.s32 $0xFFFFE000  }
.LBB2_1:
0x49: {  	s0 =	rddreg [dreg:$0x5];
	s13 =	simm.s32 $0x80;
	s5 =	simm.s32 $0x400  }
0x4a: {  	[tilespmem:s4], [sflag:$0x1D] =	stream.strided.gather [hbm4b:s0+s13], $0x1900, s5, s13, $0x38;
	[tilespmem:$0x1D900] =	vst v63  }
0x4b: {  	[smem:$0x7F9] =	sst s1;
	s5 =	simm.s32 $0x1D  }
0x4c: {  	_ =	swait.ge [sflag:s5], $0x1900  }
0x4d: {  	[sflag:s5] =	ssyncset.done $0x0  }
0x4e: {  	[sflag:s5] =	ssyncadd.s32 $0xFFFFE700  }
0x4f: {  	[tilespmem:s7], [sflag:$0x1] =	stream.indirect.gather [hbm4b:s2+s23], $0x80, s4, s23, $0xb8;
	[tilespmem:$0x1D900] =	vst v63  }
0x50: {  	_ = 	snop  }
0x51: {  	[tilespmem:s8], [sflag:$0x2] =	stream.indirect.gather [hbm4b:s2+s23], $0x80, s23, s23, $0xb8;
	[tilespmem:$0x1D900] =	vst v63  }
0x52: {  	s5 =	simm.s32 $0x5900  }
0x53: {  	[tilespmem:s5], [sflag:$0x3] =	stream.indirect.gather [hbm4b:s2+s23], $0x80, s13, s23, $0xb8;
	[tilespmem:$0x1D900] =	vst v63  }
0x54: {  	s6 =	simm.s32 $0xC0;
	s1 =	simm.s32 $0x7900  }
0x55: {  	[tilespmem:s1], [sflag:$0x4] =	stream.indirect.gather [hbm4b:s2+s23], $0x80, s6, s23, $0xb8;
	[tilespmem:$0x1D900] =	vst v63  }
0x56: {  	s13 =	simm.s32 $0x100;
	s6 =	simm.s32 $0x9900  }
0x57: {  	[tilespmem:s6], [sflag:$0x5] =	stream.indirect.gather [hbm4b:s2+s23], $0x80, s13, s23, $0xb8;
	[tilespmem:$0x1D900] =	vst v63  }
0x58: {  	s31 =	simm.s32 $0xB900;
	s13 =	simm.s32 $0x140  }
0x59: {  	[tilespmem:s31], [sflag:$0x6] =	stream.indirect.gather [hbm4b:s2+s23], $0x80, s13, s23, $0xb8;
	[tilespmem:$0x1D900] =	vst v63  }
0x5a: {  	s0 =	simm.s32 $0x180;
	s13 =	simm.s32 $0xD900  }
0x5b: {  	[tilespmem:s13], [sflag:$0x7] =	stream.indirect.gather [hbm4b:s2+s23], $0x80, s0, s23, $0xb8;
	[tilespmem:$0x1D900] =	vst v63  }
0x5c: {  	s0 =	simm.s32 $0x1C0;
	s13 =	simm.s32 $0xF900  }
0x5d: {  	[tilespmem:s13], [sflag:$0x8] =	stream.indirect.gather [hbm4b:s2+s23], $0x80, s0, s23, $0xb8;
	[tilespmem:$0x1D900] =	vst v63  }
0x5e: {  	s0 =	simm.s32 $0x200;
	s13 =	simm.s32 $0x11900  }
0x5f: {  	[tilespmem:s13], [sflag:$0x9] =	stream.indirect.gather [hbm4b:s2+s23], $0x80, s0, s23, $0xb8;
	[tilespmem:$0x1D900] =	vst v63  }
0x60: {  	s0 =	simm.s32 $0x240;
	s13 =	simm.s32 $0x13900  }
0x61: {  	[tilespmem:s13], [sflag:$0xA] =	stream.indirect.gather [hbm4b:s2+s23], $0x80, s0, s23, $0xb8;
	[tilespmem:$0x1D900] =	vst v63  }
0x62: {  	s0 =	simm.s32 $0x280;
	s13 =	simm.s32 $0x15900  }
0x63: {  	[tilespmem:s13], [sflag:$0xB] =	stream.indirect.gather [hbm4b:s2+s23], $0x80, s0, s23, $0xb8;
	[tilespmem:$0x1D900] =	vst v63  }
0x64: {  	s3 =	simm.s32 $0x1;
	s0 =	simm.s32 $0x2C0;
	s13 =	simm.s32 $0x17900  }
0x65: {  	[tilespmem:s13], [sflag:$0xC] =	stream.indirect.gather [hbm4b:s2+s23], $0x80, s0, s23, $0xb8;
	[tilespmem:$0x1D900] =	vst v63  }
0x66: {  	_ =	swait.ge [sflag:s3], $0x2000  }
0x67: {  	[sflag:s3] =	ssyncset.done $0x0  }
0x68: {  	[sflag:s3] =	ssyncadd.s32 $0xFFFFE000;
	s3 =	rddreg [dreg:$0x4]  }
0x69: {  	[hbm4b:s3+s4] =	stream.linear.scatter [tilespmem:s7], [sflag:$0xF], $0x2000, $0x38;
	[tilespmem:$0x1D900] =	vst v63  }
0x6a: {  	s0 =	simm.s32 $0x300;
	s3 =	simm.s32 $0x19900  }
0x6b: {  	[tilespmem:s3], [sflag:$0xD] =	stream.indirect.gather [hbm4b:s2+s23], $0x80, s0, s23, $0xb8;
	[tilespmem:$0x1D900] =	vst v63  }
0x6c: {  	_ =	swait.ge [sflag:s12], $0x2000  }
0x6d: {  	[sflag:s12] =	ssyncset.done $0x0  }
0x6e: {  	[sflag:s12] =	ssyncadd.s32 $0xFFFFE000;
	s12 =	rddreg [dreg:$0x6]  }
0x6f: {  	[hbm4b:s12+s4] =	stream.linear.scatter [tilespmem:s8], [sflag:$0x10], $0x2000, $0x38;
	[tilespmem:$0x1D900] =	vst v63  }
0x70: {  	s0 =	simm.s32 $0x340;
	s12 =	simm.s32 $0x1B900  }
0x71: {  	[tilespmem:s12], [sflag:$0xE] =	stream.indirect.gather [hbm4b:s2+s23], $0x80, s0, s23, $0xb8;
	[tilespmem:$0x1D900] =	vst v63  }
0x72: {  	s0 =	simm.s32 $0x3  }
0x73: {  	_ =	swait.ge [sflag:s0], $0x2000  }
0x74: {  	[sflag:s0] =	ssyncset.done $0x0  }
0x75: {  	[sflag:s0] =	ssyncadd.s32 $0xFFFFE000;
	s0 =	rddreg [dreg:$0x7]  }
0x76: {  	[hbm4b:s0+s4] =	stream.linear.scatter [tilespmem:s5], [sflag:$0x11], $0x2000, $0x38;
	[tilespmem:$0x1D900] =	vst v63  }
0x77: {  	_ =	swait.ge [sflag:s10], $0x2000  }
0x78: {  	[sflag:s10] =	ssyncset.done $0x0  }
0x79: {  	[sflag:s10] =	ssyncadd.s32 $0xFFFFE000;
	s10 =	simm.s32 $0x380  }
0x7a: {  	[tilespmem:s7], [sflag:$0x1] =	stream.indirect.gather [hbm4b:s2+s23], $0x80, s10, s23, $0xb8;
	[tilespmem:$0x1D900] =	vst v63  }
0x7b: {  	s10 =	simm.s32 $0x4  }
0x7c: {  	_ =	swait.ge [sflag:s10], $0x2000  }
0x7d: {  	[sflag:s10] =	ssyncset.done $0x0  }
0x7e: {  	[sflag:s10] =	ssyncadd.s32 $0xFFFFE000;
	s10 =	rddreg [dreg:$0x8]  }
0x7f: {  	[hbm4b:s10+s4] =	stream.linear.scatter [tilespmem:s1], [sflag:$0x12], $0x2000, $0x38;
	[tilespmem:$0x1D900] =	vst v63  }
0x80: {  	_ =	swait.ge [sflag:s11], $0x2000  }
0x81: {  	[sflag:s11] =	ssyncset.done $0x0  }
0x82: {  	s10 =	simm.s32 $0x3C0;
	[sflag:s11] =	ssyncadd.s32 $0xFFFFE000  }
0x83: {  	[tilespmem:s8], [sflag:$0x2] =	stream.indirect.gather [hbm4b:s2+s23], $0x80, s10, s23, $0xb8;
	[tilespmem:$0x1D900] =	vst v63  }
0x84: {  	s10 =	simm.s32 $0x5  }
0x85: {  	_ =	swait.ge [sflag:s10], $0x2000  }
0x86: {  	[sflag:s10] =	ssyncset.done $0x0  }
0x87: {  	[sflag:s10] =	ssyncadd.s32 $0xFFFFE000;
	s10 =	rddreg [dreg:$0x9]  }
0x88: {  	[hbm4b:s10+s4] =	stream.linear.scatter [tilespmem:s6], [sflag:$0x13], $0x2000, $0x38;
	[tilespmem:$0x1D900] =	vst v63  }
0x89: {  	s10 =	simm.s32 $0x11  }
0x8a: {  	_ =	swait.ge [sflag:s10], $0x2000  }
0x8b: {  	[sflag:s10] =	ssyncset.done $0x0  }
0x8c: {  	[sflag:s10] =	ssyncadd.s32 $0xFFFFE000;
	s10 =	simm.s32 $0x400  }
0x8d: {  	[tilespmem:s5], [sflag:$0x3] =	stream.indirect.gather [hbm4b:s2+s23], $0x80, s10, s23, $0xb8;
	[tilespmem:$0x1D900] =	vst v63  }
0x8e: {  	s10 =	simm.s32 $0x6  }
0x8f: {  	_ =	swait.ge [sflag:s10], $0x2000  }
0x90: {  	[sflag:s10] =	ssyncset.done $0x0  }
0x91: {  	s5 =	rddreg [dreg:$0x19];
	[sflag:s10] =	ssyncadd.s32 $0xFFFFE000;
	s10 =	simm.s32 $0x12  }
0x92: {  	[hbm4b:s5+s4] =	stream.linear.scatter [tilespmem:s31], [sflag:$0x14], $0x2000, $0x38;
	[tilespmem:$0x1D900] =	vst v63  }
0x93: {  	_ =	swait.ge [sflag:s10], $0x2000  }
0x94: {  	[sflag:s10] =	ssyncset.done $0x0  }
0x95: {  	s5 =	simm.s32 $0x440;
	[sflag:s10] =	ssyncadd.s32 $0xFFFFE000;
	s10 =	simm.s32 $0x7  }
0x96: {  	[tilespmem:s1], [sflag:$0x4] =	stream.indirect.gather [hbm4b:s2+s23], $0x80, s5, s23, $0xb8;
	[tilespmem:$0x1D900] =	vst v63  }
0x97: {  	_ =	swait.ge [sflag:s10], $0x2000  }
0x98: {  	s5 =	simm.s32 $0xD900;
	[sflag:s10] =	ssyncset.done $0x0  }
0x99: {  	s1 =	rddreg [dreg:$0x1a];
	[sflag:s10] =	ssyncadd.s32 $0xFFFFE000;
	s10 =	simm.s32 $0x13  }
0x9a: {  	[hbm4b:s1+s4] =	stream.linear.scatter [tilespmem:s5], [sflag:$0x15], $0x2000, $0x38;
	[tilespmem:$0x1D900] =	vst v63  }
0x9b: {  	_ =	swait.ge [sflag:s10], $0x2000  }
0x9c: {  	[sflag:s10] =	ssyncset.done $0x0  }
0x9d: {  	s1 =	simm.s32 $0x480;
	[sflag:s10] =	ssyncadd.s32 $0xFFFFE000  }
0x9e: {  	[tilespmem:s6], [sflag:$0x5] =	stream.indirect.gather [hbm4b:s2+s23], $0x80, s1, s23, $0xb8;
	[tilespmem:$0x1D900] =	vst v63  }
0x9f: {  	_ =	swait.ge [sflag:s14], $0x2000  }
0xa0: {  	[sflag:s14] =	ssyncset.done $0x0  }
0xa1: {  	s1 =	simm.s32 $0xF900;
	s10 =	rddreg [dreg:$0x1b];
	[sflag:s14] =	ssyncadd.s32 $0xFFFFE000  }
0xa2: {  	[hbm4b:s10+s4] =	stream.linear.scatter [tilespmem:s1], [sflag:$0x16], $0x2000, $0x38;
	[tilespmem:$0x1D900] =	vst v63  }
0xa3: {  	_ =	swait.ge [sflag:s15], $0x2000  }
0xa4: {  	[sflag:s15] =	ssyncset.done $0x0  }
0xa5: {  	s6 =	simm.s32 $0x4C0;
	[sflag:s15] =	ssyncadd.s32 $0xFFFFE000  }
0xa6: {  	[tilespmem:s31], [sflag:$0x6] =	stream.indirect.gather [hbm4b:s2+s23], $0x80, s6, s23, $0xb8;
	[tilespmem:$0x1D900] =	vst v63  }
0xa7: {  	_ =	swait.ge [sflag:s16], $0x2000  }
0xa8: {  	[sflag:s16] =	ssyncset.done $0x0  }
0xa9: {  	s6 =	simm.s32 $0x11900;
	s10 =	rddreg [dreg:$0x1c];
	[sflag:s16] =	ssyncadd.s32 $0xFFFFE000  }
0xaa: {  	[hbm4b:s10+s4] =	stream.linear.scatter [tilespmem:s6], [sflag:$0x17], $0x2000, $0x38;
	[tilespmem:$0x1D900] =	vst v63  }
0xab: {  	_ =	swait.ge [sflag:s17], $0x2000  }
0xac: {  	[sflag:s17] =	ssyncset.done $0x0  }
0xad: {  	s10 =	simm.s32 $0x500;
	[sflag:s17] =	ssyncadd.s32 $0xFFFFE000  }
0xae: {  	[tilespmem:s5], [sflag:$0x7] =	stream.indirect.gather [hbm4b:s2+s23], $0x80, s10, s23, $0xb8;
	[tilespmem:$0x1D900] =	vst v63  }
0xaf: {  	_ =	swait.ge [sflag:s18], $0x2000  }
0xb0: {  	[sflag:s18] =	ssyncset.done $0x0  }
0xb1: {  	s5 =	simm.s32 $0x13900;
	s10 =	rddreg [dreg:$0x1d];
	[sflag:s18] =	ssyncadd.s32 $0xFFFFE000  }
0xb2: {  	[hbm4b:s10+s4] =	stream.linear.scatter [tilespmem:s5], [sflag:$0x18], $0x2000, $0x38;
	[tilespmem:$0x1D900] =	vst v63  }
0xb3: {  	_ =	swait.ge [sflag:s19], $0x2000  }
0xb4: {  	[sflag:s19] =	ssyncset.done $0x0  }
0xb5: {  	s10 =	simm.s32 $0x540;
	[sflag:s19] =	ssyncadd.s32 $0xFFFFE000  }
0xb6: {  	[tilespmem:s1], [sflag:$0x8] =	stream.indirect.gather [hbm4b:s2+s23], $0x80, s10, s23, $0xb8;
	[tilespmem:$0x1D900] =	vst v63  }
0xb7: {  	_ =	swait.ge [sflag:s20], $0x2000  }
0xb8: {  	[sflag:s20] =	ssyncset.done $0x0  }
0xb9: {  	s1 =	simm.s32 $0x15900;
	s10 =	rddreg [dreg:$0x1e];
	[sflag:s20] =	ssyncadd.s32 $0xFFFFE000  }
0xba: {  	[hbm4b:s10+s4] =	stream.linear.scatter [tilespmem:s1], [sflag:$0x19], $0x2000, $0x38;
	[tilespmem:$0x1D900] =	vst v63  }
0xbb: {  	_ =	swait.ge [sflag:s21], $0x2000  }
0xbc: {  	[sflag:s21] =	ssyncset.done $0x0  }
0xbd: {  	s10 =	simm.s32 $0x580;
	[sflag:s21] =	ssyncadd.s32 $0xFFFFE000  }
0xbe: {  	[tilespmem:s6], [sflag:$0x9] =	stream.indirect.gather [hbm4b:s2+s23], $0x80, s10, s23, $0xb8;
	[tilespmem:$0x1D900] =	vst v63  }
0xbf: {  	_ =	swait.ge [sflag:s22], $0x2000  }
0xc0: {  	[sflag:s22] =	ssyncset.done $0x0  }
0xc1: {  	s6 =	rddreg [dreg:$0x1f];
	[sflag:s22] =	ssyncadd.s32 $0xFFFFE000  }
0xc2: {  	[hbm4b:s6+s4] =	stream.linear.scatter [tilespmem:s13], [sflag:$0x1A], $0x2000, $0x38;
	[tilespmem:$0x1D900] =	vst v63  }
0xc3: {  	_ =	swait.ge [sflag:s24], $0x2000  }
0xc4: {  	[sflag:s24] =	ssyncset.done $0x0  }
0xc5: {  	s10 =	simm.s32 $0x5C0;
	[sflag:s24] =	ssyncadd.s32 $0xFFFFE000  }
0xc6: {  	[tilespmem:s5], [sflag:$0xA] =	stream.indirect.gather [hbm4b:s2+s23], $0x80, s10, s23, $0xb8;
	[tilespmem:$0x1D900] =	vst v63  }
0xc7: {  	_ =	swait.ge [sflag:s25], $0x2000  }
0xc8: {  	s5 =	sld [smem:$0x7FA]  }
0xc9: {  	[sflag:s25] =	ssyncset.done $0x0  }
0xca: {  	[sflag:s25] =	ssyncadd.s32 $0xFFFFE000  }
0xcb: {  	[hbm4b:s5+s4] =	stream.linear.scatter [tilespmem:s3], [sflag:$0x1B], $0x2000, $0x38;
	[tilespmem:$0x1D900] =	vst v63  }
0xcc: {  	_ =	swait.ge [sflag:s28], $0x2000  }
0xcd: {  	[sflag:s28] =	ssyncset.done $0x0  }
0xce: {  	s6 =	simm.s32 $0x600;
	[sflag:s28] =	ssyncadd.s32 $0xFFFFE000  }
0xcf: {  	[tilespmem:s1], [sflag:$0xB] =	stream.indirect.gather [hbm4b:s2+s23], $0x80, s6, s23, $0xb8;
	[tilespmem:$0x1D900] =	vst v63  }
0xd0: {  	_ =	swait.ge [sflag:s29], $0x2000  }
0xd1: {  	s10 =	sld [smem:$0x7FB]  }
0xd2: {  	[sflag:s29] =	ssyncset.done $0x0  }
0xd3: {  	[sflag:s29] =	ssyncadd.s32 $0xFFFFE000  }
0xd4: {  	[hbm4b:s10+s4] =	stream.linear.scatter [tilespmem:s12], [sflag:$0x1C], $0x2000, $0x38;
	[tilespmem:$0x1D900] =	vst v63  }
0xd5: {  	_ =	swait.ge [sflag:s9], $0x2000  }
0xd6: {  	[sflag:s9] =	ssyncset.done $0x0  }
0xd7: {  	s12 =	simm.s32 $0x640;
	s1 =	rddreg [dreg:$0x16];
	[sflag:s9] =	ssyncadd.s32 $0xFFFFE000  }
0xd8: {  	[tilespmem:s13], [sflag:$0xC] =	stream.indirect.gather [hbm4b:s2+s23], $0x80, s12, s23, $0xb8;
	[tilespmem:$0x1D900] =	vst v63  }
0xd9: {  	s31 =	simm.s32 $0x0;
	s10 =	simm.s32 $0x17900;
	s5 =	rddreg [dreg:$0x2]  }
.LBB2_2:
0xda: {  	s3 =	simm.s32 $0x1  }
0xdb: {  	_ =	swait.ge [sflag:s3], $0x2000  }
0xdc: {  	[sflag:s3] =	ssyncset.done $0x0  }
0xdd: {  	[sflag:s3] =	ssyncadd.s32 $0xFFFFE000  }
0xde: {  	s0 =	sshrl.u32 s1, $0x3;
	s3 =	rddreg [dreg:$0x2]  }
0xdf: {  	s0 =	sadd.s32 s3, s0  }
0xe0: {  	[hbm4b:s0+s4] =	stream.linear.scatter [tilespmem:s7], [sflag:$0xF], $0x2000, $0x38;
	[tilespmem:$0x1D900] =	vst v63  }
0xe1: {  	_ =	swait.ge [sflag:s26], $0x2000  }
0xe2: {  	s12 =	simm.s32 $0x19900;
	s0 =	sshra.s32 s31, $0x2;
	[sflag:s26] =	ssyncset.done $0x0  }
0xe3: {  	s13 =	simm.s32 $0x2;
	s6 =	sadd.s32 $0x680, s0;
	[sflag:s26] =	ssyncadd.s32 $0xFFFFE000  }
0xe4: {  	[tilespmem:s12], [sflag:$0xD] =	stream.indirect.gather [hbm4b:s2+s23], $0x80, s6, s23, $0xb8;
	[tilespmem:$0x1D900] =	vst v63  }
0xe5: {  	_ =	swait.ge [sflag:s13], $0x2000  }
0xe6: {  	[sflag:s13] =	ssyncset.done $0x0;
	s6 =	rddreg [dreg:$0x15]  }
0xe7: {  	[sflag:s13] =	ssyncadd.s32 $0xFFFFE000;
	s13 =	sadd.s32 s5, s6  }
0xe8: {  	[hbm4b:s13+s4] =	stream.linear.scatter [tilespmem:s8], [sflag:$0x10], $0x2000, $0x38;
	[tilespmem:$0x1D900] =	vst v63  }
0xe9: {  	_ =	swait.ge [sflag:s30], $0x2000  }
0xea: {  	s3 =	sadd.s32 $0x6C0, s0;
	[sflag:s30] =	ssyncset.done $0x0  }
0xeb: {  	s6 =	simm.s32 $0x3;
	s13 =	simm.s32 $0x1B900;
	[sflag:s30] =	ssyncadd.s32 $0xFFFFE000  }
0xec: {  	[tilespmem:s13], [sflag:$0xE] =	stream.indirect.gather [hbm4b:s2+s23], $0x80, s3, s23, $0xb8;
	[tilespmem:$0x1D900] =	vst v63  }
0xed: {  	_ =	swait.ge [sflag:s6], $0x2000  }
0xee: {  	[sflag:s6] =	ssyncset.done $0x0  }
0xef: {  	[sflag:s6] =	ssyncadd.s32 $0xFFFFE000;
	s6 =	rddreg [dreg:$0x14]  }
0xf0: {  	s3 =	simm.s32 $0x5900;
	s6 =	sadd.s32 s5, s6  }
0xf1: {  	[hbm4b:s6+s4] =	stream.linear.scatter [tilespmem:s3], [sflag:$0x11], $0x2000, $0x38;
	[tilespmem:$0x1D900] =	vst v63  }
0xf2: {  	s6 =	simm.s32 $0xF  }
0xf3: {  	_ =	swait.ge [sflag:s6], $0x2000  }
0xf4: {  	[sflag:s6] =	ssyncset.done $0x0  }
0xf5: {  	s3 =	sadd.s32 $0x700, s0;
	[sflag:s6] =	ssyncadd.s32 $0xFFFFE000;
	s6 =	simm.s32 $0x4  }
0xf6: {  	[tilespmem:s7], [sflag:$0x1] =	stream.indirect.gather [hbm4b:s2+s23], $0x80, s3, s23, $0xb8;
	[tilespmem:$0x1D900] =	vst v63  }
0xf7: {  	_ =	swait.ge [sflag:s6], $0x2000  }
0xf8: {  	[sflag:s6] =	ssyncset.done $0x0;
	s7 =	rddreg [dreg:$0x13]  }
0xf9: {  	[sflag:s6] =	ssyncadd.s32 $0xFFFFE000;
	s3 =	sadd.s32 s5, s7;
	s7 =	simm.s32 $0x7900  }
0xfa: {  	[hbm4b:s3+s4] =	stream.linear.scatter [tilespmem:s7], [sflag:$0x12], $0x2000, $0x38;
	[tilespmem:$0x1D900] =	vst v63  }
0xfb: {  	_ =	swait.ge [sflag:s11], $0x2000  }
0xfc: {  	[sflag:s11] =	ssyncset.done $0x0  }
0xfd: {  	s7 =	sadd.s32 $0x740, s0;
	[sflag:s11] =	ssyncadd.s32 $0xFFFFE000  }
0xfe: {  	[tilespmem:s8], [sflag:$0x2] =	stream.indirect.gather [hbm4b:s2+s23], $0x80, s7, s23, $0xb8;
	[tilespmem:$0x1D900] =	vst v63  }
0xff: {  	s8 =	simm.s32 $0x5  }
0x100: {  	_ =	swait.ge [sflag:s8], $0x2000  }
0x101: {  	[sflag:s8] =	ssyncset.done $0x0;
	s6 =	rddreg [dreg:$0x12]  }
0x102: {  	[sflag:s8] =	ssyncadd.s32 $0xFFFFE000;
	s7 =	sadd.s32 s5, s6;
	s8 =	simm.s32 $0x9900  }
0x103: {  	[hbm4b:s7+s4] =	stream.linear.scatter [tilespmem:s8], [sflag:$0x13], $0x2000, $0x38;
	[tilespmem:$0x1D900] =	vst v63  }
0x104: {  	p0 =	seq.s32 s31, $0x4600;
	s7 =	simm.s32 $0x11  }
0x105: {  	s6 =	sshra.s32 @!p0 s31, $0x2;
	_ =	swait.ge [sflag:s7], $0x2000  }
0x106: {  	s3 =	sadd.s32 @!p0 $0x780, s6;
	[sflag:s7] =	ssyncset.done $0x0  }
0x107: {  	s8 =	simm.s32 @!p0 $0x5900;
	[sflag:s7] =	ssyncadd.s32 $0xFFFFE000;
	s7 =	simm.s32 @!p0 $0x40  }
0x108: {  	[tilespmem:s8], [sflag:$0x3] =	stream.indirect.gather @!p0 [hbm4b:s2+s7], $0x80, s3, s7, $0xb8;
	[tilespmem:$0x1D900] =	vst v63  }
0x109: {  	s8 =	simm.s32 $0x6  }
0x10a: {  	_ =	swait.ge [sflag:s8], $0x2000  }
0x10b: {  	[sflag:s8] =	ssyncset.done $0x0  }
0x10c: {  	[sflag:s8] =	ssyncadd.s32 $0xFFFFE000;
	s8 =	rddreg [dreg:$0x11]  }
0x10d: {  	s3 =	sadd.s32 s5, s8;
	s8 =	simm.s32 $0xB900  }
0x10e: {  	[hbm4b:s3+s4] =	stream.linear.scatter [tilespmem:s8], [sflag:$0x14], $0x2000, $0x38;
	[tilespmem:$0x1D900] =	vst v63  }
0x10f: {  	s8 =	simm.s32 $0x12  }
0x110: {  	_ =	swait.ge [sflag:s8], $0x2000  }
0x111: {  	[sflag:s8] =	ssyncset.done $0x0  }
0x112: {  	s3 =	sadd.s32 @!p0 $0x7C0, s6;
	[sflag:s8] =	ssyncadd.s32 $0xFFFFE000;
	s8 =	simm.s32 @!p0 $0x7900  }
0x113: {  	[tilespmem:s8], [sflag:$0x4] =	stream.indirect.gather @!p0 [hbm4b:s2+s7], $0x80, s3, s7, $0xb8;
	[tilespmem:$0x1D900] =	vst v63  }
0x114: {  	s8 =	simm.s32 $0x7  }
0x115: {  	_ =	swait.ge [sflag:s8], $0x2000  }
0x116: {  	[sflag:s8] =	ssyncset.done $0x0  }
0x117: {  	[sflag:s8] =	ssyncadd.s32 $0xFFFFE000;
	s8 =	rddreg [dreg:$0x10]  }
0x118: {  	s3 =	sadd.s32 s5, s8;
	s8 =	simm.s32 $0xD900  }
0x119: {  	[hbm4b:s3+s4] =	stream.linear.scatter [tilespmem:s8], [sflag:$0x15], $0x2000, $0x38;
	[tilespmem:$0x1D900] =	vst v63  }
0x11a: {  	s8 =	simm.s32 $0x13  }
0x11b: {  	_ =	swait.ge [sflag:s8], $0x2000  }
0x11c: {  	[sflag:s8] =	ssyncset.done $0x0  }
0x11d: {  	s3 =	sadd.s32 @!p0 $0x800, s6;
	[sflag:s8] =	ssyncadd.s32 $0xFFFFE000;
	s8 =	simm.s32 @!p0 $0x9900  }
0x11e: {  	[tilespmem:s8], [sflag:$0x5] =	stream.indirect.gather @!p0 [hbm4b:s2+s7], $0x80, s3, s7, $0xb8;
	[tilespmem:$0x1D900] =	vst v63  }
0x11f: {  	_ =	swait.ge [sflag:s14], $0x2000  }
0x120: {  	[sflag:s14] =	ssyncset.done $0x0;
	s8 =	rddreg [dreg:$0xf]  }
0x121: {  	[sflag:s14] =	ssyncadd.s32 $0xFFFFE000;
	s3 =	sadd.s32 s5, s8;
	s8 =	simm.s32 $0xF900  }
0x122: {  	[hbm4b:s3+s4] =	stream.linear.scatter [tilespmem:s8], [sflag:$0x16], $0x2000, $0x38;
	[tilespmem:$0x1D900] =	vst v63  }
0x123: {  	_ =	swait.ge [sflag:s15], $0x2000  }
0x124: {  	[sflag:s15] =	ssyncset.done $0x0  }
0x125: {  	s3 =	sadd.s32 @!p0 $0x840, s6;
	s8 =	simm.s32 @!p0 $0xB900;
	[sflag:s15] =	ssyncadd.s32 $0xFFFFE000  }
0x126: {  	[tilespmem:s8], [sflag:$0x6] =	stream.indirect.gather @!p0 [hbm4b:s2+s7], $0x80, s3, s7, $0xb8;
	[tilespmem:$0x1D900] =	vst v63  }
0x127: {  	_ =	swait.ge [sflag:s16], $0x2000  }
0x128: {  	[sflag:s16] =	ssyncset.done $0x0;
	s8 =	rddreg [dreg:$0xe]  }
0x129: {  	[sflag:s16] =	ssyncadd.s32 $0xFFFFE000;
	s3 =	sadd.s32 s5, s8;
	s8 =	simm.s32 $0x11900  }
0x12a: {  	[hbm4b:s3+s4] =	stream.linear.scatter [tilespmem:s8], [sflag:$0x17], $0x2000, $0x38;
	[tilespmem:$0x1D900] =	vst v63  }
0x12b: {  	_ =	swait.ge [sflag:s17], $0x2000  }
0x12c: {  	[sflag:s17] =	ssyncset.done $0x0  }
0x12d: {  	s3 =	sadd.s32 @!p0 $0x880, s6;
	s8 =	simm.s32 @!p0 $0xD900;
	[sflag:s17] =	ssyncadd.s32 $0xFFFFE000  }
0x12e: {  	[tilespmem:s8], [sflag:$0x7] =	stream.indirect.gather @!p0 [hbm4b:s2+s7], $0x80, s3, s7, $0xb8;
	[tilespmem:$0x1D900] =	vst v63  }
0x12f: {  	_ =	swait.ge [sflag:s18], $0x2000  }
0x130: {  	[sflag:s18] =	ssyncset.done $0x0;
	s8 =	rddreg [dreg:$0xd]  }
0x131: {  	[sflag:s18] =	ssyncadd.s32 $0xFFFFE000;
	s3 =	sadd.s32 s5, s8;
	s8 =	simm.s32 $0x13900  }
0x132: {  	[hbm4b:s3+s4] =	stream.linear.scatter [tilespmem:s8], [sflag:$0x18], $0x2000, $0x38;
	[tilespmem:$0x1D900] =	vst v63  }
0x133: {  	_ =	swait.ge [sflag:s19], $0x2000  }
0x134: {  	[sflag:s19] =	ssyncset.done $0x0  }
0x135: {  	s3 =	sadd.s32 @!p0 $0x8C0, s6;
	s8 =	simm.s32 @!p0 $0xF900;
	[sflag:s19] =	ssyncadd.s32 $0xFFFFE000  }
0x136: {  	[tilespmem:s8], [sflag:$0x8] =	stream.indirect.gather @!p0 [hbm4b:s2+s7], $0x80, s3, s7, $0xb8;
	[tilespmem:$0x1D900] =	vst v63  }
0x137: {  	_ =	swait.ge [sflag:s20], $0x2000  }
0x138: {  	[sflag:s20] =	ssyncset.done $0x0;
	s8 =	rddreg [dreg:$0xc]  }
0x139: {  	[sflag:s20] =	ssyncadd.s32 $0xFFFFE000;
	s3 =	sadd.s32 s5, s8;
	s8 =	simm.s32 $0x15900  }
0x13a: {  	[hbm4b:s3+s4] =	stream.linear.scatter [tilespmem:s8], [sflag:$0x19], $0x2000, $0x38;
	[tilespmem:$0x1D900] =	vst v63  }
0x13b: {  	_ =	swait.ge [sflag:s21], $0x2000  }
0x13c: {  	[sflag:s21] =	ssyncset.done $0x0  }
0x13d: {  	s3 =	sadd.s32 @!p0 $0x900, s6;
	s8 =	simm.s32 @!p0 $0x11900;
	[sflag:s21] =	ssyncadd.s32 $0xFFFFE000  }
0x13e: {  	[tilespmem:s8], [sflag:$0x9] =	stream.indirect.gather @!p0 [hbm4b:s2+s7], $0x80, s3, s7, $0xb8;
	[tilespmem:$0x1D900] =	vst v63  }
0x13f: {  	_ =	swait.ge [sflag:s22], $0x2000  }
0x140: {  	[sflag:s22] =	ssyncset.done $0x0;
	s8 =	rddreg [dreg:$0xb]  }
0x141: {  	[sflag:s22] =	ssyncadd.s32 $0xFFFFE000;
	s3 =	sadd.s32 s5, s8  }
0x142: {  	[hbm4b:s3+s4] =	stream.linear.scatter [tilespmem:s10], [sflag:$0x1A], $0x2000, $0x38;
	[tilespmem:$0x1D900] =	vst v63  }
0x143: {  	_ =	swait.ge [sflag:s24], $0x2000  }
0x144: {  	[sflag:s24] =	ssyncset.done $0x0  }
0x145: {  	s8 =	simm.s32 @!p0 $0x13900;
	s3 =	sadd.s32 @!p0 $0x940, s6;
	[sflag:s24] =	ssyncadd.s32 $0xFFFFE000  }
0x146: {  	[tilespmem:s8], [sflag:$0xA] =	stream.indirect.gather @!p0 [hbm4b:s2+s7], $0x80, s3, s7, $0xb8;
	[tilespmem:$0x1D900] =	vst v63  }
0x147: {  	_ =	swait.ge [sflag:s25], $0x2000  }
0x148: {  	[sflag:s25] =	ssyncset.done $0x0;
	s8 =	rddreg [dreg:$0x18]  }
0x149: {  	[sflag:s25] =	ssyncadd.s32 $0xFFFFE000;
	s3 =	sadd.s32 s5, s8  }
0x14a: {  	[hbm4b:s3+s4] =	stream.linear.scatter [tilespmem:s12], [sflag:$0x1B], $0x2000, $0x38;
	[tilespmem:$0x1D900] =	vst v63  }
0x14b: {  	_ =	swait.ge [sflag:s28], $0x2000  }
0x14c: {  	[sflag:s28] =	ssyncset.done $0x0  }
0x14d: {  	s3 =	sadd.s32 @!p0 $0x980, s6;
	s6 =	simm.s32 @!p0 $0x15900;
	[sflag:s28] =	ssyncadd.s32 $0xFFFFE000  }
0x14e: {  	[tilespmem:s6], [sflag:$0xB] =	stream.indirect.gather @!p0 [hbm4b:s2+s7], $0x80, s3, s7, $0xb8;
	[tilespmem:$0x1D900] =	vst v63  }
0x14f: {  	_ =	swait.ge [sflag:s29], $0x2000  }
0x150: {  	[sflag:s29] =	ssyncset.done $0x0;
	s12 =	rddreg [dreg:$0x17]  }
.Ltmp2:
0x151: {  	[sflag:s29] =	ssyncadd.s32 $0xFFFFE000;
	s3 =	sadd.s32 s5, s12;
	(pc) =	sbr.rel @p0 .LBB2_4-.Ltmp2, $4  }
0x152: {  	[hbm4b:s3+s4] =	stream.linear.scatter [tilespmem:s13], [sflag:$0x1C], $0x2000, $0x38;
	[tilespmem:$0x1D900] =	vst v63  }
0x153: {  	_ =	swait.ge [sflag:s9], $0x2000  }
0x154: {  	[sflag:s9] =	ssyncset.done $0x0  }
0x155: {  	[sflag:s9] =	ssyncadd.s32 $0xFFFFE000  }
.Ltmp3:
0x156: {  	(pc) =	sbr.rel .LBB2_2-.Ltmp3, $4  }
0x157: {  	_ = 	snop  }
0x158: {  	s0 =	sadd.s32 $0x9C0, s0;
	s5 =	sadd.s32 $0x3800, s5;
	s1 =	sadd.s32 $0x1C000, s1  }
0x159: {  	s31 =	sadd.s32 $0xE00, s31;
	s7 =	simm.s32 $0x1900;
	s8 =	simm.s32 $0x3900  }
0x15a: {  	[tilespmem:s10], [sflag:$0xC] =	stream.indirect.gather [hbm4b:s2+s23], $0x80, s0, s23, $0xb8;
	[tilespmem:$0x1D900] =	vst v63  }
.LBB2_5:
0x15b: {  	_ =	sfence.sel $0x180000  }
0x15c: {  	[bflag:$0x0] =	sbarrier.arrive $0xFFFF  }
0x15d: {  	_ =	strace $0x90000047  }
0x15e: {  	s0 =	stileid.u32;
	[bflag:$0x2] =	sbarrier.arrive $0xFFFF  }
0x15f: {  	p0 =	sne.s32 s0, $0x0;
	s0 =	rddreg [dreg:$0x3]  }
0x160: {  	s0 =	sadd.s32 @!p0 $0x100000, s0  }
0x161: {  	[sflag:s0] =	ssyncadd.tile.s32 @!p0 $0x1;
	_ =	shalt  }
.Lfunc_end2:
_tile_overlayer_lowered:
.L_overlay_start_2:
0x162: {  	(tag) =	ssettag $0x2  }
0x163: {  	s0 =	rddreg [dreg:$0x0];
	s2 =	stileid.u32  }
0x164: {  	s1 =	rddreg [dreg:$0x1];
	p0 =	sne.s32 s2, $0x0  }
0x165: {  	s3 =	rddreg [dreg:$0x2];
	[bflag:$0x3] =	sbarrier.arrive $0xFFFF;
	s2 =	simm.s32 @!p0 $0x1C1D  }
0x166: {  	[timem:s3], [sflag:s2] =	dma.local @!p0 [hbm:s0], s1  }
0x167: {  	s0 =	simm.s32 @!p0 $0x1D  }
0x168: {  	_ =	swait.ge @!p0 [sflag:s0], s1  }
0x169: {  	s1 =	ssub.s32 @!p0 $0x0, s1;
	[sflag:s0] =	ssyncset.done @!p0 $0x0  }
0x16a: {  	[sflag:s0] =	ssyncadd.s32 @!p0 s1  }
0x16b: {  	[bflag:$0x3] =	sbarrier.arrive $0xFFFF  }
0x16c: {  	_ =	shalt  }

</sc_bundles>
